<compile_context>
chip_gen: v7x
topology: tpu7x:2x2x1
jax: 0.10.2.dev20260603
libtpu: 0.0.44.dev20260713+nightly
codegen_flags: <defaults>
</compile_context>

<pallas_src>
import functools

import jax
import jax.numpy as jnp
from jax import lax
from jax.experimental import pallas as pl
from jax.experimental.pallas import tpu as pltpu
from jax.experimental.pallas import tpu_sc as plsc

N = 100000
D = 128
G = 64
SCALE = float(1562.5) ** (-0.5)

NC = 2
NS = 16
NW = NC * NS
L = 16
GROUP = 128
BLOCK = 256
GPB = BLOCK // GROUP
NBLK = N // BLOCK
TAILBLK = NBLK
TAIL_ROWS = N - NBLK * BLOCK
TAIL_REM = TAIL_ROWS - GROUP
BPW = -(-(NBLK + 1) // NW)
NSLOT = 3
SEGS_PER_TILE = G // NS


@functools.partial(
    pl.kernel,
    out_type=jax.ShapeDtypeStruct((NC, G, D), jnp.float32),
    mesh=plsc.VectorSubcoreMesh(core_axis_name="c", subcore_axis_name="s"),
    compiler_params=pltpu.CompilerParams(use_tc_tiling_on_sc=False),
    scratch_types=[
        pltpu.VMEM((NSLOT, BLOCK, D), jnp.float32),
        pltpu.VMEM((NSLOT, GPB, GROUP), jnp.int32),
        pltpu.VMEM((TAIL_ROWS, D), jnp.float32),
        pltpu.VMEM((GROUP,), jnp.int32),
        pltpu.VMEM((TAIL_REM,), jnp.int32),
        pltpu.VMEM((SEGS_PER_TILE, D), jnp.float32),
        pltpu.VMEM_SHARED((G, D), jnp.float32),
        pltpu.SemaphoreType.DMA((NSLOT,)),
        pltpu.SemaphoreType.DMA((NSLOT,)),
        pltpu.SemaphoreType.DMA,
        pltpu.SemaphoreType.DMA,
    ],
)
def _sc_segment_sum(nodes_ref, ids_ref, part_ref,
                    nbuf, ibuf, tnbuf, tidx_a, tidx_b, outbuf, acc,
                    nsem, isem, tnsem, tisem):
    c = lax.axis_index("c")
    s = lax.axis_index("s")
    w = s * NC + c

    def node_copy(b, slot):
        return pltpu.make_async_copy(
            nodes_ref.at[pl.ds(b * BLOCK, BLOCK)], nbuf.at[slot],
            nsem.at[slot])

    def id_copies(b, slot):
        return tuple(
            pltpu.make_async_copy(
                ids_ref.at[pl.ds(b * BLOCK + g * GROUP, GROUP)],
                ibuf.at[slot, g], isem.at[slot])
            for g in range(GPB))

    def tail_copies():
        r0 = NBLK * BLOCK
        return (
            pltpu.make_async_copy(
                nodes_ref.at[pl.ds(r0, TAIL_ROWS)], tnbuf, tnsem),
            pltpu.make_async_copy(
                ids_ref.at[pl.ds(r0, GROUP)], tidx_a, tisem),
            pltpu.make_async_copy(
                ids_ref.at[pl.ds(r0 + GROUP, TAIL_REM)], tidx_b, tisem),
        )

    def start_load(k, slot):
        b = w * BPW + k
        in_range = k < BPW

        @pl.when(in_range & (b < NBLK))
        def _():
            node_copy(b, slot).start()
            for cp in id_copies(b, slot):
                cp.start()

    def consume(k, slot):
        b = w * BPW + k
        in_range = k < BPW

        @pl.when(in_range & (b < NBLK))
        def _():
            node_copy(b, slot).wait()
            for cp in id_copies(b, slot):
                cp.wait()
            for g in range(GPB):
                pltpu.sync_copy(
                    nbuf.at[slot, pl.ds(g * GROUP, GROUP)],
                    acc.at[ibuf.at[slot, g]], add=True)

    @pl.when(w == TAILBLK // BPW)
    def _tail_start():
        for cp in tail_copies():
            cp.start()

    for p in range(NSLOT - 1):
        start_load(p, p)

    zvec = jnp.zeros((L,), jnp.float32)
    for i in range(SEGS_PER_TILE):
        for l in range(D // L):
            outbuf[i, pl.ds(l * L, L)] = zvec
    pltpu.sync_copy(outbuf, acc.at[pl.ds(s * SEGS_PER_TILE, SEGS_PER_TILE)])
    plsc.subcore_barrier()

    def step(k, carry):
        slot = lax.rem(k, NSLOT)
        start_load(k + NSLOT - 1, lax.rem(k + NSLOT - 1, NSLOT))
        consume(k, slot)
        return carry

    lax.fori_loop(0, BPW, step, 0)

    @pl.when(w == TAILBLK // BPW)
    def _tail_consume():
        for cp in tail_copies():
            cp.wait()
        pltpu.sync_copy(
            tnbuf.at[pl.ds(0, GROUP)], acc.at[tidx_a], add=True)
        pltpu.sync_copy(
            tnbuf.at[pl.ds(GROUP, TAIL_REM)], acc.at[tidx_b], add=True)

    plsc.subcore_barrier()

    seg0 = s * SEGS_PER_TILE
    pltpu.sync_copy(acc.at[pl.ds(seg0, SEGS_PER_TILE)], outbuf)
    pltpu.sync_copy(outbuf, part_ref.at[c, pl.ds(seg0, SEGS_PER_TILE)])


def _combine_body(p_ref, o_ref):
    o_ref[...] = (p_ref[0] + p_ref[1]) * SCALE


def kernel(nodes, segment_ids, num_segments):
    ids = segment_ids.astype(jnp.int32)
    partials = _sc_segment_sum(nodes, ids)
    return pl.pallas_call(
        _combine_body,
        out_shape=jax.ShapeDtypeStruct((G, D), jnp.float32),
    )(partials)

# --- scband reference (transcript-rebuilt; emitter-appended) ---
"""Pipeline reference for scband-nodewise-reduce-80401787781517 (READ-ONLY COPY).

The authoritative reference and input builder live on the scoring server;
editing this copy changes nothing except your own understanding.
"""

import jax, jax.numpy as jnp
import numpy as np

N = 100000
D = 128
G = 64
AVG_NUM_ATOMS = 1562.5


def setup_inputs(seed: int = 0) -> dict:
    key = jax.random.key(seed)
    k1, k2 = jax.random.split(key)
    nodes = jax.random.normal(k1, (N, D), dtype=jnp.float32)
    segment_ids = jnp.sort(jax.random.randint(k2, (N,), 0, G))
    return {"nodes": nodes, "segment_ids": segment_ids, "num_segments": G}


def reference(nodes, segment_ids, num_segments):
    # NodewiseReduce with reduce='normalized_sum': sum over nodes within each graph,
    # scaled by average_num_atoms ** -0.5, written to globals.
    constant = float(AVG_NUM_ATOMS) ** (-0.5)
    segment_ids = jnp.minimum(segment_ids, num_segments - 1)
    reduced = jax.ops.segment_sum(nodes, segment_ids, num_segments=G)
    return constant * reduced

if __name__ == "__main__":
    import jax
    _d = setup_inputs()
    print(jax.jit(kernel)(*tuple(_d.values())))

</pallas_src>

<mosaic_0001>
#map = affine_map<(d0, d1) -> (0, 0)>
#map1 = affine_map<(d0, d1) -> (0)>
#map2 = affine_map<(d0, d1) -> (0, 0, 0)>
module attributes {stable_mosaic.version = 14 : i64} {
  func.func @_sc_segment_sum(%arg0: i32, %arg1: i32, %arg2: memref<100000x128xf32, #tpu.memory_space<hbm>>, %arg3: memref<100000xi32, #tpu.memory_space<hbm>>, %arg4: memref<2x64x128xf32, #tpu.memory_space<hbm>>, %arg5: memref<3x256x128xf32, #tpu.memory_space<vmem>>, %arg6: memref<3x2x128xi32, #tpu.memory_space<vmem>>, %arg7: memref<160x128xf32, #tpu.memory_space<vmem>>, %arg8: memref<128xi32, #tpu.memory_space<vmem>>, %arg9: memref<32xi32, #tpu.memory_space<vmem>>, %arg10: memref<4x128xf32, #tpu.memory_space<vmem>>, %arg11: memref<64x128xf32, #tpu.memory_space<vmem_shared>>, %arg12: memref<3x!tpu.dma_semaphore, #tpu.memory_space<semaphore_mem>>, %arg13: memref<3x!tpu.dma_semaphore, #tpu.memory_space<semaphore_mem>>, %arg14: memref<!tpu.dma_semaphore, #tpu.memory_space<semaphore_mem>>, %arg15: memref<!tpu.dma_semaphore, #tpu.memory_space<semaphore_mem>>) attributes {dimension_semantics = [#tpu.dimension_semantics<core_parallel>, #tpu.dimension_semantics<subcore_parallel>], iteration_bounds = array<i64: 2, 16>, scalar_prefetch = 0 : i64, scratch_operands = 11 : i64, tpu.core_type = #tpu.core_type<sc_vector_subcore>, window_params = [{transform_indices = #map}, {transform_indices = #map1}, {transform_indices = #map2}]} {
    %mul3A = arith.constant 2 : i32
    %mul3A_0 = arith.muli %arg1, %mul3A : i32
    %add3A = arith.addi %mul3A_0, %arg0 : i32
    %eq3A = arith.constant 30 : i32
    %eq3A_1 = arith.cmpi eq, %add3A, %eq3A : i32
    %convert_element_type3A = arith.extui %eq3A_1 : i1 to i32
    %cond3A = arith.constant 0 : i32
    %cond3A_2 = arith.cmpi ne, %convert_element_type3A, %cond3A : i32
    scf.if %cond3A_2 {
      %dma_start3A = arith.constant 99840 : i32
      %dma_start3A_230 = arith.constant 0 : i32
      %dma_start3A_231 = tpu.memref_slice %arg2[%dma_start3A, %dma_start3A_230] : memref<100000x128xf32, #tpu.memory_space<hbm>> -> memref<160x128xf32, #tpu.memory_space<hbm>>
      %dma_start3A_232 = arith.constant 99840 : i32
      %dma_start3A_233 = arith.constant 0 : i32
      %dma_start3A_234 = tpu.memref_slice %arg2[%dma_start3A_232, %dma_start3A_233] : memref<100000x128xf32, #tpu.memory_space<hbm>> -> memref<160x128xf32, #tpu.memory_space<hbm>>
      tpu.enqueue_dma source(%dma_start3A_234 : memref<160x128xf32, #tpu.memory_space<hbm>>) target(%arg7 : memref<160x128xf32, #tpu.memory_space<vmem>>) target_semaphore(%arg14 : memref<!tpu.dma_semaphore, #tpu.memory_space<semaphore_mem>>)
      %dma_start3A_235 = arith.constant 99840 : i32
      %dma_start3A_236 = tpu.memref_slice %arg3[%dma_start3A_235] : memref<100000xi32, #tpu.memory_space<hbm>> -> memref<128xi32, #tpu.memory_space<hbm>>
      %dma_start3A_237 = arith.constant 99840 : i32
      %dma_start3A_238 = tpu.memref_slice %arg3[%dma_start3A_237] : memref<100000xi32, #tpu.memory_space<hbm>> -> memref<128xi32, #tpu.memory_space<hbm>>
      tpu.enqueue_dma source(%dma_start3A_238 : memref<128xi32, #tpu.memory_space<hbm>>) target(%arg8 : memref<128xi32, #tpu.memory_space<vmem>>) target_semaphore(%arg15 : memref<!tpu.dma_semaphore, #tpu.memory_space<semaphore_mem>>)
      %dma_start3A_239 = arith.constant 99968 : i32
      %dma_start3A_240 = tpu.memref_slice %arg3[%dma_start3A_239] : memref<100000xi32, #tpu.memory_space<hbm>> -> memref<32xi32, #tpu.memory_space<hbm>>
      %dma_start3A_241 = arith.constant 99968 : i32
      %dma_start3A_242 = tpu.memref_slice %arg3[%dma_start3A_241] : memref<100000xi32, #tpu.memory_space<hbm>> -> memref<32xi32, #tpu.memory_space<hbm>>
      tpu.enqueue_dma source(%dma_start3A_242 : memref<32xi32, #tpu.memory_space<hbm>>) target(%arg9 : memref<32xi32, #tpu.memory_space<vmem>>) target_semaphore(%arg15 : memref<!tpu.dma_semaphore, #tpu.memory_space<semaphore_mem>>)
    } else {
    }
    %mul3A_3 = arith.constant 13 : i32
    %mul3A_4 = arith.muli %add3A, %mul3A_3 : i32
    %add3A_5 = arith.constant 0 : i32
    %add3A_6 = arith.addi %mul3A_4, %add3A_5 : i32
    %lt3A = arith.constant 390 : i32
    %lt3A_7 = arith.cmpi slt, %add3A_6, %lt3A : i32
    %and3A = arith.constant true
    %and3A_8 = arith.andi %and3A, %lt3A_7 : i1
    %convert_element_type3A_9 = arith.extui %and3A_8 : i1 to i32
    %cond3A_10 = arith.constant 0 : i32
    %cond3A_11 = arith.cmpi ne, %convert_element_type3A_9, %cond3A_10 : i32
    scf.if %cond3A_11 {
      %mul3A_230 = arith.constant 256 : i32
      %mul3A_231 = arith.muli %add3A_6, %mul3A_230 : i32
      %dma_start3A = arith.constant 0 : i32
      %dma_start3A_232 = arith.constant 0 : i32
      %dma_start3A_233 = arith.constant 0 : i32
      %dma_start3A_234 = arith.constant 0 : i32
      %dma_start3A_235 = tpu.memref_slice %arg5[%dma_start3A, %dma_start3A_233, %dma_start3A_234] : memref<3x256x128xf32, #tpu.memory_space<vmem>> -> memref<1x256x128xf32, #tpu.memory_space<vmem>>
      %dma_start3A_236 = tpu.memref_squeeze %dma_start3A_235 : memref<1x256x128xf32, #tpu.memory_space<vmem>> -> memref<256x128xf32, #tpu.memory_space<vmem>>
      %dma_start3A_237 = arith.constant 0 : i32
      %dma_start3A_238 = tpu.memref_slice %arg2[%mul3A_231, %dma_start3A_237] : memref<100000x128xf32, #tpu.memory_space<hbm>> -> memref<256x128xf32, #tpu.memory_space<hbm>>
      %dma_start3A_239 = tpu.memref_slice %arg12[%dma_start3A_232] : memref<3x!tpu.dma_semaphore, #tpu.memory_space<semaphore_mem>> -> memref<1x!tpu.dma_semaphore, #tpu.memory_space<semaphore_mem>>
      %dma_start3A_240 = tpu.memref_squeeze %dma_start3A_239 : memref<1x!tpu.dma_semaphore, #tpu.memory_space<semaphore_mem>> -> memref<!tpu.dma_semaphore, #tpu.memory_space<semaphore_mem>>
      %dma_start3A_241 = arith.constant 0 : i32
      %dma_start3A_242 = arith.constant 0 : i32
      %dma_start3A_243 = tpu.memref_slice %arg5[%dma_start3A, %dma_start3A_241, %dma_start3A_242] : memref<3x256x128xf32, #tpu.memory_space<vmem>> -> memref<1x256x128xf32, #tpu.memory_space<vmem>>
      %dma_start3A_244 = tpu.memref_squeeze %dma_start3A_243 : memref<1x256x128xf32, #tpu.memory_space<vmem>> -> memref<256x128xf32, #tpu.memory_space<vmem>>
      %dma_start3A_245 = arith.constant 0 : i32
      %dma_start3A_246 = tpu.memref_slice %arg2[%mul3A_231, %dma_start3A_245] : memref<100000x128xf32, #tpu.memory_space<hbm>> -> memref<256x128xf32, #tpu.memory_space<hbm>>
      tpu.enqueue_dma source(%dma_start3A_246 : memref<256x128xf32, #tpu.memory_space<hbm>>) target(%dma_start3A_244 : memref<256x128xf32, #tpu.memory_space<vmem>>) target_semaphore(%dma_start3A_240 : memref<!tpu.dma_semaphore, #tpu.memory_space<semaphore_mem>>)
      %mul3A_247 = arith.constant 256 : i32
      %mul3A_248 = arith.muli %add3A_6, %mul3A_247 : i32
      %add3A_249 = arith.constant 0 : i32
      %add3A_250 = arith.addi %mul3A_248, %add3A_249 : i32
      %mul3A_251 = arith.constant 256 : i32
      %mul3A_252 = arith.muli %add3A_6, %mul3A_251 : i32
      %add3A_253 = arith.constant 128 : i32
      %add3A_254 = arith.addi %mul3A_252, %add3A_253 : i32
      %dma_start3A_255 = arith.constant 0 : i32
      %dma_start3A_256 = arith.constant 0 : i32
      %dma_start3A_257 = arith.constant 0 : i32
      %dma_start3A_258 = arith.constant 0 : i32
      %dma_start3A_259 = tpu.memref_slice %arg6[%dma_start3A_255, %dma_start3A_256, %dma_start3A_258] : memref<3x2x128xi32, #tpu.memory_space<vmem>> -> memref<1x1x128xi32, #tpu.memory_space<vmem>>
      %dma_start3A_260 = tpu.memref_squeeze %dma_start3A_259 : memref<1x1x128xi32, #tpu.memory_space<vmem>> -> memref<128xi32, #tpu.memory_space<vmem>>
      %dma_start3A_261 = tpu.memref_slice %arg3[%add3A_250] : memref<100000xi32, #tpu.memory_space<hbm>> -> memref<128xi32, #tpu.memory_space<hbm>>
      %dma_start3A_262 = tpu.memref_slice %arg13[%dma_start3A_257] : memref<3x!tpu.dma_semaphore, #tpu.memory_space<semaphore_mem>> -> memref<1x!tpu.dma_semaphore, #tpu.memory_space<semaphore_mem>>
      %dma_start3A_263 = tpu.memref_squeeze %dma_start3A_262 : memref<1x!tpu.dma_semaphore, #tpu.memory_space<semaphore_mem>> -> memref<!tpu.dma_semaphore, #tpu.memory_space<semaphore_mem>>
      %dma_start3A_264 = arith.constant 0 : i32
      %dma_start3A_265 = tpu.memref_slice %arg6[%dma_start3A_255, %dma_start3A_256, %dma_start3A_264] : memref<3x2x128xi32, #tpu.memory_space<vmem>> -> memref<1x1x128xi32, #tpu.memory_space<vmem>>
      %dma_start3A_266 = tpu.memref_squeeze %dma_start3A_265 : memref<1x1x128xi32, #tpu.memory_space<vmem>> -> memref<128xi32, #tpu.memory_space<vmem>>
      %dma_start3A_267 = tpu.memref_slice %arg3[%add3A_250] : memref<100000xi32, #tpu.memory_space<hbm>> -> memref<128xi32, #tpu.memory_space<hbm>>
      tpu.enqueue_dma source(%dma_start3A_267 : memref<128xi32, #tpu.memory_space<hbm>>) target(%dma_start3A_266 : memref<128xi32, #tpu.memory_space<vmem>>) target_semaphore(%dma_start3A_263 : memref<!tpu.dma_semaphore, #tpu.memory_space<semaphore_mem>>)
      %dma_start3A_268 = arith.constant 0 : i32
      %dma_start3A_269 = arith.constant 1 : i32
      %dma_start3A_270 = arith.constant 0 : i32
      %dma_start3A_271 = arith.constant 0 : i32
      %dma_start3A_272 = tpu.memref_slice %arg6[%dma_start3A_268, %dma_start3A_269, %dma_start3A_271] : memref<3x2x128xi32, #tpu.memory_space<vmem>> -> memref<1x1x128xi32, #tpu.memory_space<vmem>>
      %dma_start3A_273 = tpu.memref_squeeze %dma_start3A_272 : memref<1x1x128xi32, #tpu.memory_space<vmem>> -> memref<128xi32, #tpu.memory_space<vmem>>
      %dma_start3A_274 = tpu.memref_slice %arg3[%add3A_254] : memref<100000xi32, #tpu.memory_space<hbm>> -> memref<128xi32, #tpu.memory_space<hbm>>
      %dma_start3A_275 = tpu.memref_slice %arg13[%dma_start3A_270] : memref<3x!tpu.dma_semaphore, #tpu.memory_space<semaphore_mem>> -> memref<1x!tpu.dma_semaphore, #tpu.memory_space<semaphore_mem>>
      %dma_start3A_276 = tpu.memref_squeeze %dma_start3A_275 : memref<1x!tpu.dma_semaphore, #tpu.memory_space<semaphore_mem>> -> memref<!tpu.dma_semaphore, #tpu.memory_space<semaphore_mem>>
      %dma_start3A_277 = arith.constant 0 : i32
      %dma_start3A_278 = tpu.memref_slice %arg6[%dma_start3A_268, %dma_start3A_269, %dma_start3A_277] : memref<3x2x128xi32, #tpu.memory_space<vmem>> -> memref<1x1x128xi32, #tpu.memory_space<vmem>>
      %dma_start3A_279 = tpu.memref_squeeze %dma_start3A_278 : memref<1x1x128xi32, #tpu.memory_space<vmem>> -> memref<128xi32, #tpu.memory_space<vmem>>
      %dma_start3A_280 = tpu.memref_slice %arg3[%add3A_254] : memref<100000xi32, #tpu.memory_space<hbm>> -> memref<128xi32, #tpu.memory_space<hbm>>
      tpu.enqueue_dma source(%dma_start3A_280 : memref<128xi32, #tpu.memory_space<hbm>>) target(%dma_start3A_279 : memref<128xi32, #tpu.memory_space<vmem>>) target_semaphore(%dma_start3A_276 : memref<!tpu.dma_semaphore, #tpu.memory_space<semaphore_mem>>)
    } else {
    }
    %mul3A_12 = arith.constant 13 : i32
    %mul3A_13 = arith.muli %add3A, %mul3A_12 : i32
    %add3A_14 = arith.constant 1 : i32
    %add3A_15 = arith.addi %mul3A_13, %add3A_14 : i32
    %lt3A_16 = arith.constant 390 : i32
    %lt3A_17 = arith.cmpi slt, %add3A_15, %lt3A_16 : i32
    %and3A_18 = arith.constant true
    %and3A_19 = arith.andi %and3A_18, %lt3A_17 : i1
    %convert_element_type3A_20 = arith.extui %and3A_19 : i1 to i32
    %cond3A_21 = arith.constant 0 : i32
    %cond3A_22 = arith.cmpi ne, %convert_element_type3A_20, %cond3A_21 : i32
    scf.if %cond3A_22 {
      %mul3A_230 = arith.constant 256 : i32
      %mul3A_231 = arith.muli %add3A_15, %mul3A_230 : i32
      %dma_start3A = arith.constant 1 : i32
      %dma_start3A_232 = arith.constant 1 : i32
      %dma_start3A_233 = arith.constant 0 : i32
      %dma_start3A_234 = arith.constant 0 : i32
      %dma_start3A_235 = tpu.memref_slice %arg5[%dma_start3A, %dma_start3A_233, %dma_start3A_234] : memref<3x256x128xf32, #tpu.memory_space<vmem>> -> memref<1x256x128xf32, #tpu.memory_space<vmem>>
      %dma_start3A_236 = tpu.memref_squeeze %dma_start3A_235 : memref<1x256x128xf32, #tpu.memory_space<vmem>> -> memref<256x128xf32, #tpu.memory_space<vmem>>
      %dma_start3A_237 = arith.constant 0 : i32
      %dma_start3A_238 = tpu.memref_slice %arg2[%mul3A_231, %dma_start3A_237] : memref<100000x128xf32, #tpu.memory_space<hbm>> -> memref<256x128xf32, #tpu.memory_space<hbm>>
      %dma_start3A_239 = tpu.memref_slice %arg12[%dma_start3A_232] : memref<3x!tpu.dma_semaphore, #tpu.memory_space<semaphore_mem>> -> memref<1x!tpu.dma_semaphore, #tpu.memory_space<semaphore_mem>>
      %dma_start3A_240 = tpu.memref_squeeze %dma_start3A_239 : memref<1x!tpu.dma_semaphore, #tpu.memory_space<semaphore_mem>> -> memref<!tpu.dma_semaphore, #tpu.memory_space<semaphore_mem>>
      %dma_start3A_241 = arith.constant 0 : i32
      %dma_start3A_242 = arith.constant 0 : i32
      %dma_start3A_243 = tpu.memref_slice %arg5[%dma_start3A, %dma_start3A_241, %dma_start3A_242] : memref<3x256x128xf32, #tpu.memory_space<vmem>> -> memref<1x256x128xf32, #tpu.memory_space<vmem>>
      %dma_start3A_244 = tpu.memref_squeeze %dma_start3A_243 : memref<1x256x128xf32, #tpu.memory_space<vmem>> -> memref<256x128xf32, #tpu.memory_space<vmem>>
      %dma_start3A_245 = arith.constant 0 : i32
      %dma_start3A_246 = tpu.memref_slice %arg2[%mul3A_231, %dma_start3A_245] : memref<100000x128xf32, #tpu.memory_space<hbm>> -> memref<256x128xf32, #tpu.memory_space<hbm>>
      tpu.enqueue_dma source(%dma_start3A_246 : memref<256x128xf32, #tpu.memory_space<hbm>>) target(%dma_start3A_244 : memref<256x128xf32, #tpu.memory_space<vmem>>) target_semaphore(%dma_start3A_240 : memref<!tpu.dma_semaphore, #tpu.memory_space<semaphore_mem>>)
      %mul3A_247 = arith.constant 256 : i32
      %mul3A_248 = arith.muli %add3A_15, %mul3A_247 : i32
      %add3A_249 = arith.constant 0 : i32
      %add3A_250 = arith.addi %mul3A_248, %add3A_249 : i32
      %mul3A_251 = arith.constant 256 : i32
      %mul3A_252 = arith.muli %add3A_15, %mul3A_251 : i32
      %add3A_253 = arith.constant 128 : i32
      %add3A_254 = arith.addi %mul3A_252, %add3A_253 : i32
      %dma_start3A_255 = arith.constant 1 : i32
      %dma_start3A_256 = arith.constant 0 : i32
      %dma_start3A_257 = arith.constant 1 : i32
      %dma_start3A_258 = arith.constant 0 : i32
      %dma_start3A_259 = tpu.memref_slice %arg6[%dma_start3A_255, %dma_start3A_256, %dma_start3A_258] : memref<3x2x128xi32, #tpu.memory_space<vmem>> -> memref<1x1x128xi32, #tpu.memory_space<vmem>>
      %dma_start3A_260 = tpu.memref_squeeze %dma_start3A_259 : memref<1x1x128xi32, #tpu.memory_space<vmem>> -> memref<128xi32, #tpu.memory_space<vmem>>
      %dma_start3A_261 = tpu.memref_slice %arg3[%add3A_250] : memref<100000xi32, #tpu.memory_space<hbm>> -> memref<128xi32, #tpu.memory_space<hbm>>
      %dma_start3A_262 = tpu.memref_slice %arg13[%dma_start3A_257] : memref<3x!tpu.dma_semaphore, #tpu.memory_space<semaphore_mem>> -> memref<1x!tpu.dma_semaphore, #tpu.memory_space<semaphore_mem>>
      %dma_start3A_263 = tpu.memref_squeeze %dma_start3A_262 : memref<1x!tpu.dma_semaphore, #tpu.memory_space<semaphore_mem>> -> memref<!tpu.dma_semaphore, #tpu.memory_space<semaphore_mem>>
      %dma_start3A_264 = arith.constant 0 : i32
      %dma_start3A_265 = tpu.memref_slice %arg6[%dma_start3A_255, %dma_start3A_256, %dma_start3A_264] : memref<3x2x128xi32, #tpu.memory_space<vmem>> -> memref<1x1x128xi32, #tpu.memory_space<vmem>>
      %dma_start3A_266 = tpu.memref_squeeze %dma_start3A_265 : memref<1x1x128xi32, #tpu.memory_space<vmem>> -> memref<128xi32, #tpu.memory_space<vmem>>
      %dma_start3A_267 = tpu.memref_slice %arg3[%add3A_250] : memref<100000xi32, #tpu.memory_space<hbm>> -> memref<128xi32, #tpu.memory_space<hbm>>
      tpu.enqueue_dma source(%dma_start3A_267 : memref<128xi32, #tpu.memory_space<hbm>>) target(%dma_start3A_266 : memref<128xi32, #tpu.memory_space<vmem>>) target_semaphore(%dma_start3A_263 : memref<!tpu.dma_semaphore, #tpu.memory_space<semaphore_mem>>)
      %dma_start3A_268 = arith.constant 1 : i32
      %dma_start3A_269 = arith.constant 1 : i32
      %dma_start3A_270 = arith.constant 1 : i32
      %dma_start3A_271 = arith.constant 0 : i32
      %dma_start3A_272 = tpu.memref_slice %arg6[%dma_start3A_268, %dma_start3A_269, %dma_start3A_271] : memref<3x2x128xi32, #tpu.memory_space<vmem>> -> memref<1x1x128xi32, #tpu.memory_space<vmem>>
      %dma_start3A_273 = tpu.memref_squeeze %dma_start3A_272 : memref<1x1x128xi32, #tpu.memory_space<vmem>> -> memref<128xi32, #tpu.memory_space<vmem>>
      %dma_start3A_274 = tpu.memref_slice %arg3[%add3A_254] : memref<100000xi32, #tpu.memory_space<hbm>> -> memref<128xi32, #tpu.memory_space<hbm>>
      %dma_start3A_275 = tpu.memref_slice %arg13[%dma_start3A_270] : memref<3x!tpu.dma_semaphore, #tpu.memory_space<semaphore_mem>> -> memref<1x!tpu.dma_semaphore, #tpu.memory_space<semaphore_mem>>
      %dma_start3A_276 = tpu.memref_squeeze %dma_start3A_275 : memref<1x!tpu.dma_semaphore, #tpu.memory_space<semaphore_mem>> -> memref<!tpu.dma_semaphore, #tpu.memory_space<semaphore_mem>>
      %dma_start3A_277 = arith.constant 0 : i32
      %dma_start3A_278 = tpu.memref_slice %arg6[%dma_start3A_268, %dma_start3A_269, %dma_start3A_277] : memref<3x2x128xi32, #tpu.memory_space<vmem>> -> memref<1x1x128xi32, #tpu.memory_space<vmem>>
      %dma_start3A_279 = tpu.memref_squeeze %dma_start3A_278 : memref<1x1x128xi32, #tpu.memory_space<vmem>> -> memref<128xi32, #tpu.memory_space<vmem>>
      %dma_start3A_280 = tpu.memref_slice %arg3[%add3A_254] : memref<100000xi32, #tpu.memory_space<hbm>> -> memref<128xi32, #tpu.memory_space<hbm>>
      tpu.enqueue_dma source(%dma_start3A_280 : memref<128xi32, #tpu.memory_space<hbm>>) target(%dma_start3A_279 : memref<128xi32, #tpu.memory_space<vmem>>) target_semaphore(%dma_start3A_276 : memref<!tpu.dma_semaphore, #tpu.memory_space<semaphore_mem>>)
    } else {
    }
    %broadcast_in_dim3A = arith.constant 0.000000e+00 : f32
    %broadcast_in_dim3A_23 = vector.broadcast %broadcast_in_dim3A : f32 to vector<16xf32>
    %swap3A = arith.constant 0 : i32
    %swap3A_24 = arith.index_cast %swap3A : i32 to index
    %swap3A_25 = arith.constant 0 : index
    %swap3A_26 = tpu.vector_load %arg10[%swap3A_24, %swap3A_25] {strides = array<i32>} : memref<4x128xf32, #tpu.memory_space<vmem>>, vector<1x16xf32>,
    %swap3A_27 = vector.shape_cast %swap3A_26 : vector<1x16xf32> to vector<16xf32>
    %swap3A_28 = vector.shape_cast %broadcast_in_dim3A_23 : vector<16xf32> to vector<1x16xf32>
    tpu.vector_store %arg10[%swap3A_24, %swap3A_25], %swap3A_28 {strides = array<i32>} : memref<4x128xf32, #tpu.memory_space<vmem>>, vector<1x16xf32>,
    %swap3A_29 = arith.constant 0 : i32
    %swap3A_30 = arith.index_cast %swap3A_29 : i32 to index
    %swap3A_31 = arith.constant 16 : index
    %swap3A_32 = tpu.vector_load %arg10[%swap3A_30, %swap3A_31] {strides = array<i32>} : memref<4x128xf32, #tpu.memory_space<vmem>>, vector<1x16xf32>,
    %swap3A_33 = vector.shape_cast %swap3A_32 : vector<1x16xf32> to vector<16xf32>
    %swap3A_34 = vector.shape_cast %broadcast_in_dim3A_23 : vector<16xf32> to vector<1x16xf32>
    tpu.vector_store %arg10[%swap3A_30, %swap3A_31], %swap3A_34 {strides = array<i32>} : memref<4x128xf32, #tpu.memory_space<vmem>>, vector<1x16xf32>,
    %swap3A_35 = arith.constant 0 : i32
    %swap3A_36 = arith.index_cast %swap3A_35 : i32 to index
    %swap3A_37 = arith.constant 32 : index
    %swap3A_38 = tpu.vector_load %arg10[%swap3A_36, %swap3A_37] {strides = array<i32>} : memref<4x128xf32, #tpu.memory_space<vmem>>, vector<1x16xf32>,
    %swap3A_39 = vector.shape_cast %swap3A_38 : vector<1x16xf32> to vector<16xf32>
    %swap3A_40 = vector.shape_cast %broadcast_in_dim3A_23 : vector<16xf32> to vector<1x16xf32>
    tpu.vector_store %arg10[%swap3A_36, %swap3A_37], %swap3A_40 {strides = array<i32>} : memref<4x128xf32, #tpu.memory_space<vmem>>, vector<1x16xf32>,
    %swap3A_41 = arith.constant 0 : i32
    %swap3A_42 = arith.index_cast %swap3A_41 : i32 to index
    %swap3A_43 = arith.constant 48 : index
    %swap3A_44 = tpu.vector_load %arg10[%swap3A_42, %swap3A_43] {strides = array<i32>} : memref<4x128xf32, #tpu.memory_space<vmem>>, vector<1x16xf32>,
    %swap3A_45 = vector.shape_cast %swap3A_44 : vector<1x16xf32> to vector<16xf32>
    %swap3A_46 = vector.shape_cast %broadcast_in_dim3A_23 : vector<16xf32> to vector<1x16xf32>
    tpu.vector_store %arg10[%swap3A_42, %swap3A_43], %swap3A_46 {strides = array<i32>} : memref<4x128xf32, #tpu.memory_space<vmem>>, vector<1x16xf32>,
    %swap3A_47 = arith.constant 0 : i32
    %swap3A_48 = arith.index_cast %swap3A_47 : i32 to index
    %swap3A_49 = arith.constant 64 : index
    %swap3A_50 = tpu.vector_load %arg10[%swap3A_48, %swap3A_49] {strides = array<i32>} : memref<4x128xf32, #tpu.memory_space<vmem>>, vector<1x16xf32>,
    %swap3A_51 = vector.shape_cast %swap3A_50 : vector<1x16xf32> to vector<16xf32>
    %swap3A_52 = vector.shape_cast %broadcast_in_dim3A_23 : vector<16xf32> to vector<1x16xf32>
    tpu.vector_store %arg10[%swap3A_48, %swap3A_49], %swap3A_52 {strides = array<i32>} : memref<4x128xf32, #tpu.memory_space<vmem>>, vector<1x16xf32>,
    %swap3A_53 = arith.constant 0 : i32
    %swap3A_54 = arith.index_cast %swap3A_53 : i32 to index
    %swap3A_55 = arith.constant 80 : index
    %swap3A_56 = tpu.vector_load %arg10[%swap3A_54, %swap3A_55] {strides = array<i32>} : memref<4x128xf32, #tpu.memory_space<vmem>>, vector<1x16xf32>,
    %swap3A_57 = vector.shape_cast %swap3A_56 : vector<1x16xf32> to vector<16xf32>
    %swap3A_58 = vector.shape_cast %broadcast_in_dim3A_23 : vector<16xf32> to vector<1x16xf32>
    tpu.vector_store %arg10[%swap3A_54, %swap3A_55], %swap3A_58 {strides = array<i32>} : memref<4x128xf32, #tpu.memory_space<vmem>>, vector<1x16xf32>,
    %swap3A_59 = arith.constant 0 : i32
    %swap3A_60 = arith.index_cast %swap3A_59 : i32 to index
    %swap3A_61 = arith.constant 96 : index
    %swap3A_62 = tpu.vector_load %arg10[%swap3A_60, %swap3A_61] {strides = array<i32>} : memref<4x128xf32, #tpu.memory_space<vmem>>, vector<1x16xf32>,
    %swap3A_63 = vector.shape_cast %swap3A_62 : vector<1x16xf32> to vector<16xf32>
    %swap3A_64 = vector.shape_cast %broadcast_in_dim3A_23 : vector<16xf32> to vector<1x16xf32>
    tpu.vector_store %arg10[%swap3A_60, %swap3A_61], %swap3A_64 {strides = array<i32>} : memref<4x128xf32, #tpu.memory_space<vmem>>, vector<1x16xf32>,
    %swap3A_65 = arith.constant 0 : i32
    %swap3A_66 = arith.index_cast %swap3A_65 : i32 to index
    %swap3A_67 = arith.constant 112 : index
    %swap3A_68 = tpu.vector_load %arg10[%swap3A_66, %swap3A_67] {strides = array<i32>} : memref<4x128xf32, #tpu.memory_space<vmem>>, vector<1x16xf32>,
    %swap3A_69 = vector.shape_cast %swap3A_68 : vector<1x16xf32> to vector<16xf32>
    %swap3A_70 = vector.shape_cast %broadcast_in_dim3A_23 : vector<16xf32> to vector<1x16xf32>
    tpu.vector_store %arg10[%swap3A_66, %swap3A_67], %swap3A_70 {strides = array<i32>} : memref<4x128xf32, #tpu.memory_space<vmem>>, vector<1x16xf32>,
    %swap3A_71 = arith.constant 1 : i32
    %swap3A_72 = arith.index_cast %swap3A_71 : i32 to index
    %swap3A_73 = arith.constant 0 : index
    %swap3A_74 = tpu.vector_load %arg10[%swap3A_72, %swap3A_73] {strides = array<i32>} : memref<4x128xf32, #tpu.memory_space<vmem>>, vector<1x16xf32>,
    %swap3A_75 = vector.shape_cast %swap3A_74 : vector<1x16xf32> to vector<16xf32>
    %swap3A_76 = vector.shape_cast %broadcast_in_dim3A_23 : vector<16xf32> to vector<1x16xf32>
    tpu.vector_store %arg10[%swap3A_72, %swap3A_73], %swap3A_76 {strides = array<i32>} : memref<4x128xf32, #tpu.memory_space<vmem>>, vector<1x16xf32>,
    %swap3A_77 = arith.constant 1 : i32
    %swap3A_78 = arith.index_cast %swap3A_77 : i32 to index
    %swap3A_79 = arith.constant 16 : index
    %swap3A_80 = tpu.vector_load %arg10[%swap3A_78, %swap3A_79] {strides = array<i32>} : memref<4x128xf32, #tpu.memory_space<vmem>>, vector<1x16xf32>,
    %swap3A_81 = vector.shape_cast %swap3A_80 : vector<1x16xf32> to vector<16xf32>
    %swap3A_82 = vector.shape_cast %broadcast_in_dim3A_23 : vector<16xf32> to vector<1x16xf32>
    tpu.vector_store %arg10[%swap3A_78, %swap3A_79], %swap3A_82 {strides = array<i32>} : memref<4x128xf32, #tpu.memory_space<vmem>>, vector<1x16xf32>,
    %swap3A_83 = arith.constant 1 : i32
    %swap3A_84 = arith.index_cast %swap3A_83 : i32 to index
    %swap3A_85 = arith.constant 32 : index
    %swap3A_86 = tpu.vector_load %arg10[%swap3A_84, %swap3A_85] {strides = array<i32>} : memref<4x128xf32, #tpu.memory_space<vmem>>, vector<1x16xf32>,
    %swap3A_87 = vector.shape_cast %swap3A_86 : vector<1x16xf32> to vector<16xf32>
    %swap3A_88 = vector.shape_cast %broadcast_in_dim3A_23 : vector<16xf32> to vector<1x16xf32>
    tpu.vector_store %arg10[%swap3A_84, %swap3A_85], %swap3A_88 {strides = array<i32>} : memref<4x128xf32, #tpu.memory_space<vmem>>, vector<1x16xf32>,
    %swap3A_89 = arith.constant 1 : i32
    %swap3A_90 = arith.index_cast %swap3A_89 : i32 to index
    %swap3A_91 = arith.constant 48 : index
    %swap3A_92 = tpu.vector_load %arg10[%swap3A_90, %swap3A_91] {strides = array<i32>} : memref<4x128xf32, #tpu.memory_space<vmem>>, vector<1x16xf32>,
    %swap3A_93 = vector.shape_cast %swap3A_92 : vector<1x16xf32> to vector<16xf32>
    %swap3A_94 = vector.shape_cast %broadcast_in_dim3A_23 : vector<16xf32> to vector<1x16xf32>
    tpu.vector_store %arg10[%swap3A_90, %swap3A_91], %swap3A_94 {strides = array<i32>} : memref<4x128xf32, #tpu.memory_space<vmem>>, vector<1x16xf32>,
    %swap3A_95 = arith.constant 1 : i32
    %swap3A_96 = arith.index_cast %swap3A_95 : i32 to index
    %swap3A_97 = arith.constant 64 : index
    %swap3A_98 = tpu.vector_load %arg10[%swap3A_96, %swap3A_97] {strides = array<i32>} : memref<4x128xf32, #tpu.memory_space<vmem>>, vector<1x16xf32>,
    %swap3A_99 = vector.shape_cast %swap3A_98 : vector<1x16xf32> to vector<16xf32>
    %swap3A_100 = vector.shape_cast %broadcast_in_dim3A_23 : vector<16xf32> to vector<1x16xf32>
    tpu.vector_store %arg10[%swap3A_96, %swap3A_97], %swap3A_100 {strides = array<i32>} : memref<4x128xf32, #tpu.memory_space<vmem>>, vector<1x16xf32>,
    %swap3A_101 = arith.constant 1 : i32
    %swap3A_102 = arith.index_cast %swap3A_101 : i32 to index
    %swap3A_103 = arith.constant 80 : index
    %swap3A_104 = tpu.vector_load %arg10[%swap3A_102, %swap3A_103] {strides = array<i32>} : memref<4x128xf32, #tpu.memory_space<vmem>>, vector<1x16xf32>,
    %swap3A_105 = vector.shape_cast %swap3A_104 : vector<1x16xf32> to vector<16xf32>
    %swap3A_106 = vector.shape_cast %broadcast_in_dim3A_23 : vector<16xf32> to vector<1x16xf32>
    tpu.vector_store %arg10[%swap3A_102, %swap3A_103], %swap3A_106 {strides = array<i32>} : memref<4x128xf32, #tpu.memory_space<vmem>>, vector<1x16xf32>,
    %swap3A_107 = arith.constant 1 : i32
    %swap3A_108 = arith.index_cast %swap3A_107 : i32 to index
    %swap3A_109 = arith.constant 96 : index
    %swap3A_110 = tpu.vector_load %arg10[%swap3A_108, %swap3A_109] {strides = array<i32>} : memref<4x128xf32, #tpu.memory_space<vmem>>, vector<1x16xf32>,
    %swap3A_111 = vector.shape_cast %swap3A_110 : vector<1x16xf32> to vector<16xf32>
    %swap3A_112 = vector.shape_cast %broadcast_in_dim3A_23 : vector<16xf32> to vector<1x16xf32>
    tpu.vector_store %arg10[%swap3A_108, %swap3A_109], %swap3A_112 {strides = array<i32>} : memref<4x128xf32, #tpu.memory_space<vmem>>, vector<1x16xf32>,
    %swap3A_113 = arith.constant 1 : i32
    %swap3A_114 = arith.index_cast %swap3A_113 : i32 to index
    %swap3A_115 = arith.constant 112 : index
    %swap3A_116 = tpu.vector_load %arg10[%swap3A_114, %swap3A_115] {strides = array<i32>} : memref<4x128xf32, #tpu.memory_space<vmem>>, vector<1x16xf32>,
    %swap3A_117 = vector.shape_cast %swap3A_116 : vector<1x16xf32> to vector<16xf32>
    %swap3A_118 = vector.shape_cast %broadcast_in_dim3A_23 : vector<16xf32> to vector<1x16xf32>
    tpu.vector_store %arg10[%swap3A_114, %swap3A_115], %swap3A_118 {strides = array<i32>} : memref<4x128xf32, #tpu.memory_space<vmem>>, vector<1x16xf32>,
    %swap3A_119 = arith.constant 2 : i32
    %swap3A_120 = arith.index_cast %swap3A_119 : i32 to index
    %swap3A_121 = arith.constant 0 : index
    %swap3A_122 = tpu.vector_load %arg10[%swap3A_120, %swap3A_121] {strides = array<i32>} : memref<4x128xf32, #tpu.memory_space<vmem>>, vector<1x16xf32>,
    %swap3A_123 = vector.shape_cast %swap3A_122 : vector<1x16xf32> to vector<16xf32>
    %swap3A_124 = vector.shape_cast %broadcast_in_dim3A_23 : vector<16xf32> to vector<1x16xf32>
    tpu.vector_store %arg10[%swap3A_120, %swap3A_121], %swap3A_124 {strides = array<i32>} : memref<4x128xf32, #tpu.memory_space<vmem>>, vector<1x16xf32>,
    %swap3A_125 = arith.constant 2 : i32
    %swap3A_126 = arith.index_cast %swap3A_125 : i32 to index
    %swap3A_127 = arith.constant 16 : index
    %swap3A_128 = tpu.vector_load %arg10[%swap3A_126, %swap3A_127] {strides = array<i32>} : memref<4x128xf32, #tpu.memory_space<vmem>>, vector<1x16xf32>,
    %swap3A_129 = vector.shape_cast %swap3A_128 : vector<1x16xf32> to vector<16xf32>
    %swap3A_130 = vector.shape_cast %broadcast_in_dim3A_23 : vector<16xf32> to vector<1x16xf32>
    tpu.vector_store %arg10[%swap3A_126, %swap3A_127], %swap3A_130 {strides = array<i32>} : memref<4x128xf32, #tpu.memory_space<vmem>>, vector<1x16xf32>,
    %swap3A_131 = arith.constant 2 : i32
    %swap3A_132 = arith.index_cast %swap3A_131 : i32 to index
    %swap3A_133 = arith.constant 32 : index
    %swap3A_134 = tpu.vector_load %arg10[%swap3A_132, %swap3A_133] {strides = array<i32>} : memref<4x128xf32, #tpu.memory_space<vmem>>, vector<1x16xf32>,
    %swap3A_135 = vector.shape_cast %swap3A_134 : vector<1x16xf32> to vector<16xf32>
    %swap3A_136 = vector.shape_cast %broadcast_in_dim3A_23 : vector<16xf32> to vector<1x16xf32>
    tpu.vector_store %arg10[%swap3A_132, %swap3A_133], %swap3A_136 {strides = array<i32>} : memref<4x128xf32, #tpu.memory_space<vmem>>, vector<1x16xf32>,
    %swap3A_137 = arith.constant 2 : i32
    %swap3A_138 = arith.index_cast %swap3A_137 : i32 to index
    %swap3A_139 = arith.constant 48 : index
    %swap3A_140 = tpu.vector_load %arg10[%swap3A_138, %swap3A_139] {strides = array<i32>} : memref<4x128xf32, #tpu.memory_space<vmem>>, vector<1x16xf32>,
    %swap3A_141 = vector.shape_cast %swap3A_140 : vector<1x16xf32> to vector<16xf32>
    %swap3A_142 = vector.shape_cast %broadcast_in_dim3A_23 : vector<16xf32> to vector<1x16xf32>
    tpu.vector_store %arg10[%swap3A_138, %swap3A_139], %swap3A_142 {strides = array<i32>} : memref<4x128xf32, #tpu.memory_space<vmem>>, vector<1x16xf32>,
    %swap3A_143 = arith.constant 2 : i32
    %swap3A_144 = arith.index_cast %swap3A_143 : i32 to index
    %swap3A_145 = arith.constant 64 : index
    %swap3A_146 = tpu.vector_load %arg10[%swap3A_144, %swap3A_145] {strides = array<i32>} : memref<4x128xf32, #tpu.memory_space<vmem>>, vector<1x16xf32>,
    %swap3A_147 = vector.shape_cast %swap3A_146 : vector<1x16xf32> to vector<16xf32>
    %swap3A_148 = vector.shape_cast %broadcast_in_dim3A_23 : vector<16xf32> to vector<1x16xf32>
    tpu.vector_store %arg10[%swap3A_144, %swap3A_145], %swap3A_148 {strides = array<i32>} : memref<4x128xf32, #tpu.memory_space<vmem>>, vector<1x16xf32>,
    %swap3A_149 = arith.constant 2 : i32
    %swap3A_150 = arith.index_cast %swap3A_149 : i32 to index
    %swap3A_151 = arith.constant 80 : index
    %swap3A_152 = tpu.vector_load %arg10[%swap3A_150, %swap3A_151] {strides = array<i32>} : memref<4x128xf32, #tpu.memory_space<vmem>>, vector<1x16xf32>,
    %swap3A_153 = vector.shape_cast %swap3A_152 : vector<1x16xf32> to vector<16xf32>
    %swap3A_154 = vector.shape_cast %broadcast_in_dim3A_23 : vector<16xf32> to vector<1x16xf32>
    tpu.vector_store %arg10[%swap3A_150, %swap3A_151], %swap3A_154 {strides = array<i32>} : memref<4x128xf32, #tpu.memory_space<vmem>>, vector<1x16xf32>,
    %swap3A_155 = arith.constant 2 : i32
    %swap3A_156 = arith.index_cast %swap3A_155 : i32 to index
    %swap3A_157 = arith.constant 96 : index
    %swap3A_158 = tpu.vector_load %arg10[%swap3A_156, %swap3A_157] {strides = array<i32>} : memref<4x128xf32, #tpu.memory_space<vmem>>, vector<1x16xf32>,
    %swap3A_159 = vector.shape_cast %swap3A_158 : vector<1x16xf32> to vector<16xf32>
    %swap3A_160 = vector.shape_cast %broadcast_in_dim3A_23 : vector<16xf32> to vector<1x16xf32>
    tpu.vector_store %arg10[%swap3A_156, %swap3A_157], %swap3A_160 {strides = array<i32>} : memref<4x128xf32, #tpu.memory_space<vmem>>, vector<1x16xf32>,
    %swap3A_161 = arith.constant 2 : i32
    %swap3A_162 = arith.index_cast %swap3A_161 : i32 to index
    %swap3A_163 = arith.constant 112 : index
    %swap3A_164 = tpu.vector_load %arg10[%swap3A_162, %swap3A_163] {strides = array<i32>} : memref<4x128xf32, #tpu.memory_space<vmem>>, vector<1x16xf32>,
    %swap3A_165 = vector.shape_cast %swap3A_164 : vector<1x16xf32> to vector<16xf32>
    %swap3A_166 = vector.shape_cast %broadcast_in_dim3A_23 : vector<16xf32> to vector<1x16xf32>
    tpu.vector_store %arg10[%swap3A_162, %swap3A_163], %swap3A_166 {strides = array<i32>} : memref<4x128xf32, #tpu.memory_space<vmem>>, vector<1x16xf32>,
    %swap3A_167 = arith.constant 3 : i32
    %swap3A_168 = arith.index_cast %swap3A_167 : i32 to index
    %swap3A_169 = arith.constant 0 : index
    %swap3A_170 = tpu.vector_load %arg10[%swap3A_168, %swap3A_169] {strides = array<i32>} : memref<4x128xf32, #tpu.memory_space<vmem>>, vector<1x16xf32>,
    %swap3A_171 = vector.shape_cast %swap3A_170 : vector<1x16xf32> to vector<16xf32>
    %swap3A_172 = vector.shape_cast %broadcast_in_dim3A_23 : vector<16xf32> to vector<1x16xf32>
    tpu.vector_store %arg10[%swap3A_168, %swap3A_169], %swap3A_172 {strides = array<i32>} : memref<4x128xf32, #tpu.memory_space<vmem>>, vector<1x16xf32>,
    %swap3A_173 = arith.constant 3 : i32
    %swap3A_174 = arith.index_cast %swap3A_173 : i32 to index
    %swap3A_175 = arith.constant 16 : index
    %swap3A_176 = tpu.vector_load %arg10[%swap3A_174, %swap3A_175] {strides = array<i32>} : memref<4x128xf32, #tpu.memory_space<vmem>>, vector<1x16xf32>,
    %swap3A_177 = vector.shape_cast %swap3A_176 : vector<1x16xf32> to vector<16xf32>
    %swap3A_178 = vector.shape_cast %broadcast_in_dim3A_23 : vector<16xf32> to vector<1x16xf32>
    tpu.vector_store %arg10[%swap3A_174, %swap3A_175], %swap3A_178 {strides = array<i32>} : memref<4x128xf32, #tpu.memory_space<vmem>>, vector<1x16xf32>,
    %swap3A_179 = arith.constant 3 : i32
    %swap3A_180 = arith.index_cast %swap3A_179 : i32 to index
    %swap3A_181 = arith.constant 32 : index
    %swap3A_182 = tpu.vector_load %arg10[%swap3A_180, %swap3A_181] {strides = array<i32>} : memref<4x128xf32, #tpu.memory_space<vmem>>, vector<1x16xf32>,
    %swap3A_183 = vector.shape_cast %swap3A_182 : vector<1x16xf32> to vector<16xf32>
    %swap3A_184 = vector.shape_cast %broadcast_in_dim3A_23 : vector<16xf32> to vector<1x16xf32>
    tpu.vector_store %arg10[%swap3A_180, %swap3A_181], %swap3A_184 {strides = array<i32>} : memref<4x128xf32, #tpu.memory_space<vmem>>, vector<1x16xf32>,
    %swap3A_185 = arith.constant 3 : i32
    %swap3A_186 = arith.index_cast %swap3A_185 : i32 to index
    %swap3A_187 = arith.constant 48 : index
    %swap3A_188 = tpu.vector_load %arg10[%swap3A_186, %swap3A_187] {strides = array<i32>} : memref<4x128xf32, #tpu.memory_space<vmem>>, vector<1x16xf32>,
    %swap3A_189 = vector.shape_cast %swap3A_188 : vector<1x16xf32> to vector<16xf32>
    %swap3A_190 = vector.shape_cast %broadcast_in_dim3A_23 : vector<16xf32> to vector<1x16xf32>
    tpu.vector_store %arg10[%swap3A_186, %swap3A_187], %swap3A_190 {strides = array<i32>} : memref<4x128xf32, #tpu.memory_space<vmem>>, vector<1x16xf32>,
    %swap3A_191 = arith.constant 3 : i32
    %swap3A_192 = arith.index_cast %swap3A_191 : i32 to index
    %swap3A_193 = arith.constant 64 : index
    %swap3A_194 = tpu.vector_load %arg10[%swap3A_192, %swap3A_193] {strides = array<i32>} : memref<4x128xf32, #tpu.memory_space<vmem>>, vector<1x16xf32>,
    %swap3A_195 = vector.shape_cast %swap3A_194 : vector<1x16xf32> to vector<16xf32>
    %swap3A_196 = vector.shape_cast %broadcast_in_dim3A_23 : vector<16xf32> to vector<1x16xf32>
    tpu.vector_store %arg10[%swap3A_192, %swap3A_193], %swap3A_196 {strides = array<i32>} : memref<4x128xf32, #tpu.memory_space<vmem>>, vector<1x16xf32>,
    %swap3A_197 = arith.constant 3 : i32
    %swap3A_198 = arith.index_cast %swap3A_197 : i32 to index
    %swap3A_199 = arith.constant 80 : index
    %swap3A_200 = tpu.vector_load %arg10[%swap3A_198, %swap3A_199] {strides = array<i32>} : memref<4x128xf32, #tpu.memory_space<vmem>>, vector<1x16xf32>,
    %swap3A_201 = vector.shape_cast %swap3A_200 : vector<1x16xf32> to vector<16xf32>
    %swap3A_202 = vector.shape_cast %broadcast_in_dim3A_23 : vector<16xf32> to vector<1x16xf32>
    tpu.vector_store %arg10[%swap3A_198, %swap3A_199], %swap3A_202 {strides = array<i32>} : memref<4x128xf32, #tpu.memory_space<vmem>>, vector<1x16xf32>,
    %swap3A_203 = arith.constant 3 : i32
    %swap3A_204 = arith.index_cast %swap3A_203 : i32 to index
    %swap3A_205 = arith.constant 96 : index
    %swap3A_206 = tpu.vector_load %arg10[%swap3A_204, %swap3A_205] {strides = array<i32>} : memref<4x128xf32, #tpu.memory_space<vmem>>, vector<1x16xf32>,
    %swap3A_207 = vector.shape_cast %swap3A_206 : vector<1x16xf32> to vector<16xf32>
    %swap3A_208 = vector.shape_cast %broadcast_in_dim3A_23 : vector<16xf32> to vector<1x16xf32>
    tpu.vector_store %arg10[%swap3A_204, %swap3A_205], %swap3A_208 {strides = array<i32>} : memref<4x128xf32, #tpu.memory_space<vmem>>, vector<1x16xf32>,
    %swap3A_209 = arith.constant 3 : i32
    %swap3A_210 = arith.index_cast %swap3A_209 : i32 to index
    %swap3A_211 = arith.constant 112 : index
    %swap3A_212 = tpu.vector_load %arg10[%swap3A_210, %swap3A_211] {strides = array<i32>} : memref<4x128xf32, #tpu.memory_space<vmem>>, vector<1x16xf32>,
    %swap3A_213 = vector.shape_cast %swap3A_212 : vector<1x16xf32> to vector<16xf32>
    %swap3A_214 = vector.shape_cast %broadcast_in_dim3A_23 : vector<16xf32> to vector<1x16xf32>
    tpu.vector_store %arg10[%swap3A_210, %swap3A_211], %swap3A_214 {strides = array<i32>} : memref<4x128xf32, #tpu.memory_space<vmem>>, vector<1x16xf32>,
    %mul3A_215 = arith.constant 4 : i32
    %mul3A_216 = arith.muli %arg1, %mul3A_215 : i32
    "tpu.region"() ({
      %run_scoped3A = tpu.sem_alloc : memref<!tpu.dma_semaphore, #tpu.memory_space<semaphore_mem>>
      %dma_start3A = arith.constant 0 : i32
      %dma_start3A_230 = tpu.memref_slice %arg11[%mul3A_216, %dma_start3A] : memref<64x128xf32, #tpu.memory_space<vmem_shared>> -> memref<4x128xf32, #tpu.memory_space<vmem_shared>>
      %dma_start3A_231 = arith.constant 0 : i32
      %dma_start3A_232 = tpu.memref_slice %arg11[%mul3A_216, %dma_start3A_231] : memref<64x128xf32, #tpu.memory_space<vmem_shared>> -> memref<4x128xf32, #tpu.memory_space<vmem_shared>>
      tpu.enqueue_dma source(%arg10 : memref<4x128xf32, #tpu.memory_space<vmem>>) target(%dma_start3A_232 : memref<4x128xf32, #tpu.memory_space<vmem_shared>>) target_semaphore(%run_scoped3A : memref<!tpu.dma_semaphore, #tpu.memory_space<semaphore_mem>>)
      %dma_wait3A = arith.constant 0 : i32
      %dma_wait3A_233 = tpu.memref_slice %arg11[%mul3A_216, %dma_wait3A] : memref<64x128xf32, #tpu.memory_space<vmem_shared>> -> memref<4x128xf32, #tpu.memory_space<vmem_shared>>
      %dma_wait3A_234 = arith.constant 0 : i32
      %dma_wait3A_235 = tpu.memref_slice %arg11[%mul3A_216, %dma_wait3A_234] : memref<64x128xf32, #tpu.memory_space<vmem_shared>> -> memref<4x128xf32, #tpu.memory_space<vmem_shared>>
      tpu.wait_dma2 semaphore(%run_scoped3A : memref<!tpu.dma_semaphore, #tpu.memory_space<semaphore_mem>>) src(%arg10 : memref<4x128xf32, #tpu.memory_space<vmem>>) dst(%dma_wait3A_235 : memref<4x128xf32, #tpu.memory_space<vmem_shared>>)
      tpu.yield
    }) : () -> ()
    %barrier3A = arith.constant 0 : index
    tpu.barrier barrier_id(%barrier3A)
    %scan3A = arith.constant 0 : i32
    %scan3A_217 = arith.constant 0 : i32
    %scan3A_218 = arith.constant 13 : i32
    %scan3A_219 = arith.addi %scan3A_217, %scan3A_218 : i32
    %scan3A_220 = arith.constant 1 : i32
    scf.for %scan3A_230 = %scan3A_217 to %scan3A_219 step %scan3A_220  : i32 {
      %rem3A = arith.constant 3 : i32
      %rem3A_231 = arith.remsi %scan3A_230, %rem3A : i32
      %add3A_232 = arith.constant 3 : i32
      %add3A_233 = arith.addi %scan3A_230, %add3A_232 : i32
      %sub3A = arith.constant 1 : i32
      %sub3A_234 = arith.subi %add3A_233, %sub3A : i32
      %add3A_235 = arith.constant 3 : i32
      %add3A_236 = arith.addi %scan3A_230, %add3A_235 : i32
      %sub3A_237 = arith.constant 1 : i32
      %sub3A_238 = arith.subi %add3A_236, %sub3A_237 : i32
      %rem3A_239 = arith.constant 3 : i32
      %rem3A_240 = arith.remsi %sub3A_238, %rem3A_239 : i32
      %mul3A_241 = arith.constant 13 : i32
      %mul3A_242 = arith.muli %add3A, %mul3A_241 : i32
      %add3A_243 = arith.addi %mul3A_242, %sub3A_234 : i32
      %lt3A_244 = arith.constant 13 : i32
      %lt3A_245 = arith.cmpi slt, %sub3A_234, %lt3A_244 : i32
      %lt3A_246 = arith.constant 390 : i32
      %lt3A_247 = arith.cmpi slt, %add3A_243, %lt3A_246 : i32
      %and3A_248 = arith.andi %lt3A_245, %lt3A_247 : i1
      %convert_element_type3A_249 = arith.extui %and3A_248 : i1 to i32
      %cond3A_250 = arith.constant 0 : i32
      %cond3A_251 = arith.cmpi ne, %convert_element_type3A_249, %cond3A_250 : i32
      scf.if %cond3A_251 {
        %mul3A_263 = arith.constant 256 : i32
        %mul3A_264 = arith.muli %add3A_243, %mul3A_263 : i32
        %dma_start3A = arith.constant 0 : i32
        %dma_start3A_265 = arith.constant 0 : i32
        %dma_start3A_266 = tpu.memref_slice %arg5[%rem3A_240, %dma_start3A, %dma_start3A_265] : memref<3x256x128xf32, #tpu.memory_space<vmem>> -> memref<1x256x128xf32, #tpu.memory_space<vmem>>
        %dma_start3A_267 = tpu.memref_squeeze %dma_start3A_266 : memref<1x256x128xf32, #tpu.memory_space<vmem>> -> memref<256x128xf32, #tpu.memory_space<vmem>>
        %dma_start3A_268 = arith.constant 0 : i32
        %dma_start3A_269 = tpu.memref_slice %arg2[%mul3A_264, %dma_start3A_268] : memref<100000x128xf32, #tpu.memory_space<hbm>> -> memref<256x128xf32, #tpu.memory_space<hbm>>
        %dma_start3A_270 = tpu.memref_slice %arg12[%rem3A_240] : memref<3x!tpu.dma_semaphore, #tpu.memory_space<semaphore_mem>> -> memref<1x!tpu.dma_semaphore, #tpu.memory_space<semaphore_mem>>
        %dma_start3A_271 = tpu.memref_squeeze %dma_start3A_270 : memref<1x!tpu.dma_semaphore, #tpu.memory_space<semaphore_mem>> -> memref<!tpu.dma_semaphore, #tpu.memory_space<semaphore_mem>>
        %dma_start3A_272 = arith.constant 0 : i32
        %dma_start3A_273 = arith.constant 0 : i32
        %dma_start3A_274 = tpu.memref_slice %arg5[%rem3A_240, %dma_start3A_272, %dma_start3A_273] : memref<3x256x128xf32, #tpu.memory_space<vmem>> -> memref<1x256x128xf32, #tpu.memory_space<vmem>>
        %dma_start3A_275 = tpu.memref_squeeze %dma_start3A_274 : memref<1x256x128xf32, #tpu.memory_space<vmem>> -> memref<256x128xf32, #tpu.memory_space<vmem>>
        %dma_start3A_276 = arith.constant 0 : i32
        %dma_start3A_277 = tpu.memref_slice %arg2[%mul3A_264, %dma_start3A_276] : memref<100000x128xf32, #tpu.memory_space<hbm>> -> memref<256x128xf32, #tpu.memory_space<hbm>>
        tpu.enqueue_dma source(%dma_start3A_277 : memref<256x128xf32, #tpu.memory_space<hbm>>) target(%dma_start3A_275 : memref<256x128xf32, #tpu.memory_space<vmem>>) target_semaphore(%dma_start3A_271 : memref<!tpu.dma_semaphore, #tpu.memory_space<semaphore_mem>>)
        %mul3A_278 = arith.constant 256 : i32
        %mul3A_279 = arith.muli %add3A_243, %mul3A_278 : i32
        %add3A_280 = arith.constant 0 : i32
        %add3A_281 = arith.addi %mul3A_279, %add3A_280 : i32
        %mul3A_282 = arith.constant 256 : i32
        %mul3A_283 = arith.muli %add3A_243, %mul3A_282 : i32
        %add3A_284 = arith.constant 128 : i32
        %add3A_285 = arith.addi %mul3A_283, %add3A_284 : i32
        %dma_start3A_286 = arith.constant 0 : i32
        %dma_start3A_287 = arith.constant 0 : i32
        %dma_start3A_288 = tpu.memref_slice %arg6[%rem3A_240, %dma_start3A_286, %dma_start3A_287] : memref<3x2x128xi32, #tpu.memory_space<vmem>> -> memref<1x1x128xi32, #tpu.memory_space<vmem>>
        %dma_start3A_289 = tpu.memref_squeeze %dma_start3A_288 : memref<1x1x128xi32, #tpu.memory_space<vmem>> -> memref<128xi32, #tpu.memory_space<vmem>>
        %dma_start3A_290 = tpu.memref_slice %arg3[%add3A_281] : memref<100000xi32, #tpu.memory_space<hbm>> -> memref<128xi32, #tpu.memory_space<hbm>>
        %dma_start3A_291 = tpu.memref_slice %arg13[%rem3A_240] : memref<3x!tpu.dma_semaphore, #tpu.memory_space<semaphore_mem>> -> memref<1x!tpu.dma_semaphore, #tpu.memory_space<semaphore_mem>>
        %dma_start3A_292 = tpu.memref_squeeze %dma_start3A_291 : memref<1x!tpu.dma_semaphore, #tpu.memory_space<semaphore_mem>> -> memref<!tpu.dma_semaphore, #tpu.memory_space<semaphore_mem>>
        %dma_start3A_293 = arith.constant 0 : i32
        %dma_start3A_294 = tpu.memref_slice %arg6[%rem3A_240, %dma_start3A_286, %dma_start3A_293] : memref<3x2x128xi32, #tpu.memory_space<vmem>> -> memref<1x1x128xi32, #tpu.memory_space<vmem>>
        %dma_start3A_295 = tpu.memref_squeeze %dma_start3A_294 : memref<1x1x128xi32, #tpu.memory_space<vmem>> -> memref<128xi32, #tpu.memory_space<vmem>>
        %dma_start3A_296 = tpu.memref_slice %arg3[%add3A_281] : memref<100000xi32, #tpu.memory_space<hbm>> -> memref<128xi32, #tpu.memory_space<hbm>>
        tpu.enqueue_dma source(%dma_start3A_296 : memref<128xi32, #tpu.memory_space<hbm>>) target(%dma_start3A_295 : memref<128xi32, #tpu.memory_space<vmem>>) target_semaphore(%dma_start3A_292 : memref<!tpu.dma_semaphore, #tpu.memory_space<semaphore_mem>>)
        %dma_start3A_297 = arith.constant 1 : i32
        %dma_start3A_298 = arith.constant 0 : i32
        %dma_start3A_299 = tpu.memref_slice %arg6[%rem3A_240, %dma_start3A_297, %dma_start3A_298] : memref<3x2x128xi32, #tpu.memory_space<vmem>> -> memref<1x1x128xi32, #tpu.memory_space<vmem>>
        %dma_start3A_300 = tpu.memref_squeeze %dma_start3A_299 : memref<1x1x128xi32, #tpu.memory_space<vmem>> -> memref<128xi32, #tpu.memory_space<vmem>>
        %dma_start3A_301 = tpu.memref_slice %arg3[%add3A_285] : memref<100000xi32, #tpu.memory_space<hbm>> -> memref<128xi32, #tpu.memory_space<hbm>>
        %dma_start3A_302 = tpu.memref_slice %arg13[%rem3A_240] : memref<3x!tpu.dma_semaphore, #tpu.memory_space<semaphore_mem>> -> memref<1x!tpu.dma_semaphore, #tpu.memory_space<semaphore_mem>>
        %dma_start3A_303 = tpu.memref_squeeze %dma_start3A_302 : memref<1x!tpu.dma_semaphore, #tpu.memory_space<semaphore_mem>> -> memref<!tpu.dma_semaphore, #tpu.memory_space<semaphore_mem>>
        %dma_start3A_304 = arith.constant 0 : i32
        %dma_start3A_305 = tpu.memref_slice %arg6[%rem3A_240, %dma_start3A_297, %dma_start3A_304] : memref<3x2x128xi32, #tpu.memory_space<vmem>> -> memref<1x1x128xi32, #tpu.memory_space<vmem>>
        %dma_start3A_306 = tpu.memref_squeeze %dma_start3A_305 : memref<1x1x128xi32, #tpu.memory_space<vmem>> -> memref<128xi32, #tpu.memory_space<vmem>>
        %dma_start3A_307 = tpu.memref_slice %arg3[%add3A_285] : memref<100000xi32, #tpu.memory_space<hbm>> -> memref<128xi32, #tpu.memory_space<hbm>>
        tpu.enqueue_dma source(%dma_start3A_307 : memref<128xi32, #tpu.memory_space<hbm>>) target(%dma_start3A_306 : memref<128xi32, #tpu.memory_space<vmem>>) target_semaphore(%dma_start3A_303 : memref<!tpu.dma_semaphore, #tpu.memory_space<semaphore_mem>>)
      } else {
      }
      %mul3A_252 = arith.constant 13 : i32
      %mul3A_253 = arith.muli %add3A, %mul3A_252 : i32
      %add3A_254 = arith.addi %mul3A_253, %scan3A_230 : i32
      %lt3A_255 = arith.constant 13 : i32
      %lt3A_256 = arith.cmpi slt, %scan3A_230, %lt3A_255 : i32
      %lt3A_257 = arith.constant 390 : i32
      %lt3A_258 = arith.cmpi slt, %add3A_254, %lt3A_257 : i32
      %and3A_259 = arith.andi %lt3A_256, %lt3A_258 : i1
      %convert_element_type3A_260 = arith.extui %and3A_259 : i1 to i32
      %cond3A_261 = arith.constant 0 : i32
      %cond3A_262 = arith.cmpi ne, %convert_element_type3A_260, %cond3A_261 : i32
      scf.if %cond3A_262 {
        %mul3A_263 = arith.constant 256 : i32
        %mul3A_264 = arith.muli %add3A_254, %mul3A_263 : i32
        %dma_wait3A = arith.constant 0 : i32
        %dma_wait3A_265 = arith.constant 0 : i32
        %dma_wait3A_266 = tpu.memref_slice %arg5[%rem3A_231, %dma_wait3A, %dma_wait3A_265] : memref<3x256x128xf32, #tpu.memory_space<vmem>> -> memref<1x256x128xf32, #tpu.memory_space<vmem>>
        %dma_wait3A_267 = tpu.memref_squeeze %dma_wait3A_266 : memref<1x256x128xf32, #tpu.memory_space<vmem>> -> memref<256x128xf32, #tpu.memory_space<vmem>>
        %dma_wait3A_268 = arith.constant 0 : i32
        %dma_wait3A_269 = tpu.memref_slice %arg2[%mul3A_264, %dma_wait3A_268] : memref<100000x128xf32, #tpu.memory_space<hbm>> -> memref<256x128xf32, #tpu.memory_space<hbm>>
        %dma_wait3A_270 = tpu.memref_slice %arg12[%rem3A_231] : memref<3x!tpu.dma_semaphore, #tpu.memory_space<semaphore_mem>> -> memref<1x!tpu.dma_semaphore, #tpu.memory_space<semaphore_mem>>
        %dma_wait3A_271 = tpu.memref_squeeze %dma_wait3A_270 : memref<1x!tpu.dma_semaphore, #tpu.memory_space<semaphore_mem>> -> memref<!tpu.dma_semaphore, #tpu.memory_space<semaphore_mem>>
        %dma_wait3A_272 = arith.constant 0 : i32
        %dma_wait3A_273 = arith.constant 0 : i32
        %dma_wait3A_274 = tpu.memref_slice %arg5[%rem3A_231, %dma_wait3A_272, %dma_wait3A_273] : memref<3x256x128xf32, #tpu.memory_space<vmem>> -> memref<1x256x128xf32, #tpu.memory_space<vmem>>
        %dma_wait3A_275 = tpu.memref_squeeze %dma_wait3A_274 : memref<1x256x128xf32, #tpu.memory_space<vmem>> -> memref<256x128xf32, #tpu.memory_space<vmem>>
        %dma_wait3A_276 = arith.constant 0 : i32
        %dma_wait3A_277 = tpu.memref_slice %arg2[%mul3A_264, %dma_wait3A_276] : memref<100000x128xf32, #tpu.memory_space<hbm>> -> memref<256x128xf32, #tpu.memory_space<hbm>>
        tpu.wait_dma2 semaphore(%dma_wait3A_271 : memref<!tpu.dma_semaphore, #tpu.memory_space<semaphore_mem>>) src(%dma_wait3A_277 : memref<256x128xf32, #tpu.memory_space<hbm>>) dst(%dma_wait3A_275 : memref<256x128xf32, #tpu.memory_space<vmem>>)
        %mul3A_278 = arith.constant 256 : i32
        %mul3A_279 = arith.muli %add3A_254, %mul3A_278 : i32
        %add3A_280 = arith.constant 0 : i32
        %add3A_281 = arith.addi %mul3A_279, %add3A_280 : i32
        %mul3A_282 = arith.constant 256 : i32
        %mul3A_283 = arith.muli %add3A_254, %mul3A_282 : i32
        %add3A_284 = arith.constant 128 : i32
        %add3A_285 = arith.addi %mul3A_283, %add3A_284 : i32
        %dma_wait3A_286 = arith.constant 0 : i32
        %dma_wait3A_287 = arith.constant 0 : i32
        %dma_wait3A_288 = tpu.memref_slice %arg6[%rem3A_231, %dma_wait3A_286, %dma_wait3A_287] : memref<3x2x128xi32, #tpu.memory_space<vmem>> -> memref<1x1x128xi32, #tpu.memory_space<vmem>>
        %dma_wait3A_289 = tpu.memref_squeeze %dma_wait3A_288 : memref<1x1x128xi32, #tpu.memory_space<vmem>> -> memref<128xi32, #tpu.memory_space<vmem>>
        %dma_wait3A_290 = tpu.memref_slice %arg3[%add3A_281] : memref<100000xi32, #tpu.memory_space<hbm>> -> memref<128xi32, #tpu.memory_space<hbm>>
        %dma_wait3A_291 = tpu.memref_slice %arg13[%rem3A_231] : memref<3x!tpu.dma_semaphore, #tpu.memory_space<semaphore_mem>> -> memref<1x!tpu.dma_semaphore, #tpu.memory_space<semaphore_mem>>
        %dma_wait3A_292 = tpu.memref_squeeze %dma_wait3A_291 : memref<1x!tpu.dma_semaphore, #tpu.memory_space<semaphore_mem>> -> memref<!tpu.dma_semaphore, #tpu.memory_space<semaphore_mem>>
        %dma_wait3A_293 = arith.constant 0 : i32
        %dma_wait3A_294 = tpu.memref_slice %arg6[%rem3A_231, %dma_wait3A_286, %dma_wait3A_293] : memref<3x2x128xi32, #tpu.memory_space<vmem>> -> memref<1x1x128xi32, #tpu.memory_space<vmem>>
        %dma_wait3A_295 = tpu.memref_squeeze %dma_wait3A_294 : memref<1x1x128xi32, #tpu.memory_space<vmem>> -> memref<128xi32, #tpu.memory_space<vmem>>
        %dma_wait3A_296 = tpu.memref_slice %arg3[%add3A_281] : memref<100000xi32, #tpu.memory_space<hbm>> -> memref<128xi32, #tpu.memory_space<hbm>>
        tpu.wait_dma2 semaphore(%dma_wait3A_292 : memref<!tpu.dma_semaphore, #tpu.memory_space<semaphore_mem>>) src(%dma_wait3A_296 : memref<128xi32, #tpu.memory_space<hbm>>) dst(%dma_wait3A_295 : memref<128xi32, #tpu.memory_space<vmem>>)
        %dma_wait3A_297 = arith.constant 1 : i32
        %dma_wait3A_298 = arith.constant 0 : i32
        %dma_wait3A_299 = tpu.memref_slice %arg6[%rem3A_231, %dma_wait3A_297, %dma_wait3A_298] : memref<3x2x128xi32, #tpu.memory_space<vmem>> -> memref<1x1x128xi32, #tpu.memory_space<vmem>>
        %dma_wait3A_300 = tpu.memref_squeeze %dma_wait3A_299 : memref<1x1x128xi32, #tpu.memory_space<vmem>> -> memref<128xi32, #tpu.memory_space<vmem>>
        %dma_wait3A_301 = tpu.memref_slice %arg3[%add3A_285] : memref<100000xi32, #tpu.memory_space<hbm>> -> memref<128xi32, #tpu.memory_space<hbm>>
        %dma_wait3A_302 = tpu.memref_slice %arg13[%rem3A_231] : memref<3x!tpu.dma_semaphore, #tpu.memory_space<semaphore_mem>> -> memref<1x!tpu.dma_semaphore, #tpu.memory_space<semaphore_mem>>
        %dma_wait3A_303 = tpu.memref_squeeze %dma_wait3A_302 : memref<1x!tpu.dma_semaphore, #tpu.memory_space<semaphore_mem>> -> memref<!tpu.dma_semaphore, #tpu.memory_space<semaphore_mem>>
        %dma_wait3A_304 = arith.constant 0 : i32
        %dma_wait3A_305 = tpu.memref_slice %arg6[%rem3A_231, %dma_wait3A_297, %dma_wait3A_304] : memref<3x2x128xi32, #tpu.memory_space<vmem>> -> memref<1x1x128xi32, #tpu.memory_space<vmem>>
        %dma_wait3A_306 = tpu.memref_squeeze %dma_wait3A_305 : memref<1x1x128xi32, #tpu.memory_space<vmem>> -> memref<128xi32, #tpu.memory_space<vmem>>
        %dma_wait3A_307 = tpu.memref_slice %arg3[%add3A_285] : memref<100000xi32, #tpu.memory_space<hbm>> -> memref<128xi32, #tpu.memory_space<hbm>>
        tpu.wait_dma2 semaphore(%dma_wait3A_303 : memref<!tpu.dma_semaphore, #tpu.memory_space<semaphore_mem>>) src(%dma_wait3A_307 : memref<128xi32, #tpu.memory_space<hbm>>) dst(%dma_wait3A_306 : memref<128xi32, #tpu.memory_space<vmem>>)
        %run_scoped3A = arith.constant 0 : i32
        "tpu.region"() ({
          %run_scoped3A_309 = tpu.sem_alloc : memref<!tpu.dma_semaphore, #tpu.memory_space<semaphore_mem>>
          %dma_start3A = arith.constant 0 : i32
          %dma_start3A_310 = arith.constant 0 : i32
          %dma_start3A_311 = tpu.memref_slice %arg5[%rem3A_231, %dma_start3A, %dma_start3A_310] : memref<3x256x128xf32, #tpu.memory_space<vmem>> -> memref<1x128x128xf32, #tpu.memory_space<vmem>>
          %dma_start3A_312 = tpu.memref_squeeze %dma_start3A_311 : memref<1x128x128xf32, #tpu.memory_space<vmem>> -> memref<128x128xf32, #tpu.memory_space<vmem>>
          %dma_start3A_313 = arith.constant 0 : i32
          %dma_start3A_314 = tpu.memref_slice %arg6[%rem3A_231, %run_scoped3A, %dma_start3A_313] : memref<3x2x128xi32, #tpu.memory_space<vmem>> -> memref<1x1x128xi32, #tpu.memory_space<vmem>>
          %dma_start3A_315 = tpu.memref_squeeze %dma_start3A_314 : memref<1x1x128xi32, #tpu.memory_space<vmem>> -> memref<128xi32, #tpu.memory_space<vmem>>
          %dma_start3A_316 = arith.constant 0 : i32
          %dma_start3A_317 = arith.constant 0 : i32
          %dma_start3A_318 = tpu.memref_slice %arg11[%dma_start3A_316, %dma_start3A_317] : memref<64x128xf32, #tpu.memory_space<vmem_shared>> -> memref<64x128xf32, #tpu.memory_space<vmem_shared>>
          tpu.enqueue_indirect_dma source(%dma_start3A_312 : memref<128x128xf32, #tpu.memory_space<vmem>>) target(%dma_start3A_318 : memref<64x128xf32, #tpu.memory_space<vmem_shared>>) offsets(%dma_start3A_315 : memref<128xi32, #tpu.memory_space<vmem>>) semaphore(%run_scoped3A_309 : memref<!tpu.dma_semaphore, #tpu.memory_space<semaphore_mem>>) {add = true}
          %dma_wait3A_319 = arith.constant 0 : i32
          %dma_wait3A_320 = arith.constant 0 : i32
          %dma_wait3A_321 = tpu.memref_slice %arg5[%rem3A_231, %dma_wait3A_319, %dma_wait3A_320] : memref<3x256x128xf32, #tpu.memory_space<vmem>> -> memref<1x128x128xf32, #tpu.memory_space<vmem>>
          %dma_wait3A_322 = tpu.memref_squeeze %dma_wait3A_321 : memref<1x128x128xf32, #tpu.memory_space<vmem>> -> memref<128x128xf32, #tpu.memory_space<vmem>>
          %dma_wait3A_323 = arith.constant 0 : i32
          %dma_wait3A_324 = tpu.memref_slice %arg6[%rem3A_231, %run_scoped3A, %dma_wait3A_323] : memref<3x2x128xi32, #tpu.memory_space<vmem>> -> memref<1x1x128xi32, #tpu.memory_space<vmem>>
          %dma_wait3A_325 = tpu.memref_squeeze %dma_wait3A_324 : memref<1x1x128xi32, #tpu.memory_space<vmem>> -> memref<128xi32, #tpu.memory_space<vmem>>
          %dma_wait3A_326 = arith.constant 0 : i32
          %dma_wait3A_327 = arith.constant 0 : i32
          %dma_wait3A_328 = tpu.memref_slice %arg11[%dma_wait3A_326, %dma_wait3A_327] : memref<64x128xf32, #tpu.memory_space<vmem_shared>> -> memref<64x128xf32, #tpu.memory_space<vmem_shared>>
          tpu.wait_indirect_dma semaphore(%run_scoped3A_309 : memref<!tpu.dma_semaphore, #tpu.memory_space<semaphore_mem>>) src(%dma_wait3A_322 : memref<128x128xf32, #tpu.memory_space<vmem>>) dst(%dma_wait3A_328 : memref<64x128xf32, #tpu.memory_space<vmem_shared>>)
          tpu.yield
        }) : () -> ()
        %run_scoped3A_308 = arith.constant 1 : i32
        "tpu.region"() ({
          %run_scoped3A_309 = tpu.sem_alloc : memref<!tpu.dma_semaphore, #tpu.memory_space<semaphore_mem>>
          %dma_start3A = arith.constant 128 : i32
          %dma_start3A_310 = arith.constant 0 : i32
          %dma_start3A_311 = tpu.memref_slice %arg5[%rem3A_231, %dma_start3A, %dma_start3A_310] : memref<3x256x128xf32, #tpu.memory_space<vmem>> -> memref<1x128x128xf32, #tpu.memory_space<vmem>>
          %dma_start3A_312 = tpu.memref_squeeze %dma_start3A_311 : memref<1x128x128xf32, #tpu.memory_space<vmem>> -> memref<128x128xf32, #tpu.memory_space<vmem>>
          %dma_start3A_313 = arith.constant 0 : i32
          %dma_start3A_314 = tpu.memref_slice %arg6[%rem3A_231, %run_scoped3A_308, %dma_start3A_313] : memref<3x2x128xi32, #tpu.memory_space<vmem>> -> memref<1x1x128xi32, #tpu.memory_space<vmem>>
          %dma_start3A_315 = tpu.memref_squeeze %dma_start3A_314 : memref<1x1x128xi32, #tpu.memory_space<vmem>> -> memref<128xi32, #tpu.memory_space<vmem>>
          %dma_start3A_316 = arith.constant 0 : i32
          %dma_start3A_317 = arith.constant 0 : i32
          %dma_start3A_318 = tpu.memref_slice %arg11[%dma_start3A_316, %dma_start3A_317] : memref<64x128xf32, #tpu.memory_space<vmem_shared>> -> memref<64x128xf32, #tpu.memory_space<vmem_shared>>
          tpu.enqueue_indirect_dma source(%dma_start3A_312 : memref<128x128xf32, #tpu.memory_space<vmem>>) target(%dma_start3A_318 : memref<64x128xf32, #tpu.memory_space<vmem_shared>>) offsets(%dma_start3A_315 : memref<128xi32, #tpu.memory_space<vmem>>) semaphore(%run_scoped3A_309 : memref<!tpu.dma_semaphore, #tpu.memory_space<semaphore_mem>>) {add = true}
          %dma_wait3A_319 = arith.constant 128 : i32
          %dma_wait3A_320 = arith.constant 0 : i32
          %dma_wait3A_321 = tpu.memref_slice %arg5[%rem3A_231, %dma_wait3A_319, %dma_wait3A_320] : memref<3x256x128xf32, #tpu.memory_space<vmem>> -> memref<1x128x128xf32, #tpu.memory_space<vmem>>
          %dma_wait3A_322 = tpu.memref_squeeze %dma_wait3A_321 : memref<1x128x128xf32, #tpu.memory_space<vmem>> -> memref<128x128xf32, #tpu.memory_space<vmem>>
          %dma_wait3A_323 = arith.constant 0 : i32
          %dma_wait3A_324 = tpu.memref_slice %arg6[%rem3A_231, %run_scoped3A_308, %dma_wait3A_323] : memref<3x2x128xi32, #tpu.memory_space<vmem>> -> memref<1x1x128xi32, #tpu.memory_space<vmem>>
          %dma_wait3A_325 = tpu.memref_squeeze %dma_wait3A_324 : memref<1x1x128xi32, #tpu.memory_space<vmem>> -> memref<128xi32, #tpu.memory_space<vmem>>
          %dma_wait3A_326 = arith.constant 0 : i32
          %dma_wait3A_327 = arith.constant 0 : i32
          %dma_wait3A_328 = tpu.memref_slice %arg11[%dma_wait3A_326, %dma_wait3A_327] : memref<64x128xf32, #tpu.memory_space<vmem_shared>> -> memref<64x128xf32, #tpu.memory_space<vmem_shared>>
          tpu.wait_indirect_dma semaphore(%run_scoped3A_309 : memref<!tpu.dma_semaphore, #tpu.memory_space<semaphore_mem>>) src(%dma_wait3A_322 : memref<128x128xf32, #tpu.memory_space<vmem>>) dst(%dma_wait3A_328 : memref<64x128xf32, #tpu.memory_space<vmem_shared>>)
          tpu.yield
        }) : () -> ()
      } else {
      }
    }
    %scan3A_221 = arith.constant 13 : i32
    %eq3A_222 = arith.constant 30 : i32
    %eq3A_223 = arith.cmpi eq, %add3A, %eq3A_222 : i32
    %convert_element_type3A_224 = arith.extui %eq3A_223 : i1 to i32
    %cond3A_225 = arith.constant 0 : i32
    %cond3A_226 = arith.cmpi ne, %convert_element_type3A_224, %cond3A_225 : i32
    scf.if %cond3A_226 {
      %dma_wait3A = arith.constant 99840 : i32
      %dma_wait3A_230 = arith.constant 0 : i32
      %dma_wait3A_231 = tpu.memref_slice %arg2[%dma_wait3A, %dma_wait3A_230] : memref<100000x128xf32, #tpu.memory_space<hbm>> -> memref<160x128xf32, #tpu.memory_space<hbm>>
      %dma_wait3A_232 = arith.constant 99840 : i32
      %dma_wait3A_233 = arith.constant 0 : i32
      %dma_wait3A_234 = tpu.memref_slice %arg2[%dma_wait3A_232, %dma_wait3A_233] : memref<100000x128xf32, #tpu.memory_space<hbm>> -> memref<160x128xf32, #tpu.memory_space<hbm>>
      tpu.wait_dma2 semaphore(%arg14 : memref<!tpu.dma_semaphore, #tpu.memory_space<semaphore_mem>>) src(%dma_wait3A_234 : memref<160x128xf32, #tpu.memory_space<hbm>>) dst(%arg7 : memref<160x128xf32, #tpu.memory_space<vmem>>)
      %dma_wait3A_235 = arith.constant 99840 : i32
      %dma_wait3A_236 = tpu.memref_slice %arg3[%dma_wait3A_235] : memref<100000xi32, #tpu.memory_space<hbm>> -> memref<128xi32, #tpu.memory_space<hbm>>
      %dma_wait3A_237 = arith.constant 99840 : i32
      %dma_wait3A_238 = tpu.memref_slice %arg3[%dma_wait3A_237] : memref<100000xi32, #tpu.memory_space<hbm>> -> memref<128xi32, #tpu.memory_space<hbm>>
      tpu.wait_dma2 semaphore(%arg15 : memref<!tpu.dma_semaphore, #tpu.memory_space<semaphore_mem>>) src(%dma_wait3A_238 : memref<128xi32, #tpu.memory_space<hbm>>) dst(%arg8 : memref<128xi32, #tpu.memory_space<vmem>>)
      %dma_wait3A_239 = arith.constant 99968 : i32
      %dma_wait3A_240 = tpu.memref_slice %arg3[%dma_wait3A_239] : memref<100000xi32, #tpu.memory_space<hbm>> -> memref<32xi32, #tpu.memory_space<hbm>>
      %dma_wait3A_241 = arith.constant 99968 : i32
      %dma_wait3A_242 = tpu.memref_slice %arg3[%dma_wait3A_241] : memref<100000xi32, #tpu.memory_space<hbm>> -> memref<32xi32, #tpu.memory_space<hbm>>
      tpu.wait_dma2 semaphore(%arg15 : memref<!tpu.dma_semaphore, #tpu.memory_space<semaphore_mem>>) src(%dma_wait3A_242 : memref<32xi32, #tpu.memory_space<hbm>>) dst(%arg9 : memref<32xi32, #tpu.memory_space<vmem>>)
      "tpu.region"() ({
        %run_scoped3A = tpu.sem_alloc : memref<!tpu.dma_semaphore, #tpu.memory_space<semaphore_mem>>
        %dma_start3A = arith.constant 0 : i32
        %dma_start3A_243 = arith.constant 0 : i32
        %dma_start3A_244 = tpu.memref_slice %arg7[%dma_start3A, %dma_start3A_243] : memref<160x128xf32, #tpu.memory_space<vmem>> -> memref<128x128xf32, #tpu.memory_space<vmem>>
        %dma_start3A_245 = arith.constant 0 : i32
        %dma_start3A_246 = arith.constant 0 : i32
        %dma_start3A_247 = tpu.memref_slice %arg11[%dma_start3A_245, %dma_start3A_246] : memref<64x128xf32, #tpu.memory_space<vmem_shared>> -> memref<64x128xf32, #tpu.memory_space<vmem_shared>>
        tpu.enqueue_indirect_dma source(%dma_start3A_244 : memref<128x128xf32, #tpu.memory_space<vmem>>) target(%dma_start3A_247 : memref<64x128xf32, #tpu.memory_space<vmem_shared>>) offsets(%arg8 : memref<128xi32, #tpu.memory_space<vmem>>) semaphore(%run_scoped3A : memref<!tpu.dma_semaphore, #tpu.memory_space<semaphore_mem>>) {add = true}
        %dma_wait3A_248 = arith.constant 0 : i32
        %dma_wait3A_249 = arith.constant 0 : i32
        %dma_wait3A_250 = tpu.memref_slice %arg7[%dma_wait3A_248, %dma_wait3A_249] : memref<160x128xf32, #tpu.memory_space<vmem>> -> memref<128x128xf32, #tpu.memory_space<vmem>>
        %dma_wait3A_251 = arith.constant 0 : i32
        %dma_wait3A_252 = arith.constant 0 : i32
        %dma_wait3A_253 = tpu.memref_slice %arg11[%dma_wait3A_251, %dma_wait3A_252] : memref<64x128xf32, #tpu.memory_space<vmem_shared>> -> memref<64x128xf32, #tpu.memory_space<vmem_shared>>
        tpu.wait_indirect_dma semaphore(%run_scoped3A : memref<!tpu.dma_semaphore, #tpu.memory_space<semaphore_mem>>) src(%dma_wait3A_250 : memref<128x128xf32, #tpu.memory_space<vmem>>) dst(%dma_wait3A_253 : memref<64x128xf32, #tpu.memory_space<vmem_shared>>)
        tpu.yield
      }) : () -> ()
      "tpu.region"() ({
        %run_scoped3A = tpu.sem_alloc : memref<!tpu.dma_semaphore, #tpu.memory_space<semaphore_mem>>
        %dma_start3A = arith.constant 128 : i32
        %dma_start3A_243 = arith.constant 0 : i32
        %dma_start3A_244 = tpu.memref_slice %arg7[%dma_start3A, %dma_start3A_243] : memref<160x128xf32, #tpu.memory_space<vmem>> -> memref<32x128xf32, #tpu.memory_space<vmem>>
        %dma_start3A_245 = arith.constant 0 : i32
        %dma_start3A_246 = arith.constant 0 : i32
        %dma_start3A_247 = tpu.memref_slice %arg11[%dma_start3A_245, %dma_start3A_246] : memref<64x128xf32, #tpu.memory_space<vmem_shared>> -> memref<64x128xf32, #tpu.memory_space<vmem_shared>>
        tpu.enqueue_indirect_dma source(%dma_start3A_244 : memref<32x128xf32, #tpu.memory_space<vmem>>) target(%dma_start3A_247 : memref<64x128xf32, #tpu.memory_space<vmem_shared>>) offsets(%arg9 : memref<32xi32, #tpu.memory_space<vmem>>) semaphore(%run_scoped3A : memref<!tpu.dma_semaphore, #tpu.memory_space<semaphore_mem>>) {add = true}
        %dma_wait3A_248 = arith.constant 128 : i32
        %dma_wait3A_249 = arith.constant 0 : i32
        %dma_wait3A_250 = tpu.memref_slice %arg7[%dma_wait3A_248, %dma_wait3A_249] : memref<160x128xf32, #tpu.memory_space<vmem>> -> memref<32x128xf32, #tpu.memory_space<vmem>>
        %dma_wait3A_251 = arith.constant 0 : i32
        %dma_wait3A_252 = arith.constant 0 : i32
        %dma_wait3A_253 = tpu.memref_slice %arg11[%dma_wait3A_251, %dma_wait3A_252] : memref<64x128xf32, #tpu.memory_space<vmem_shared>> -> memref<64x128xf32, #tpu.memory_space<vmem_shared>>
        tpu.wait_indirect_dma semaphore(%run_scoped3A : memref<!tpu.dma_semaphore, #tpu.memory_space<semaphore_mem>>) src(%dma_wait3A_250 : memref<32x128xf32, #tpu.memory_space<vmem>>) dst(%dma_wait3A_253 : memref<64x128xf32, #tpu.memory_space<vmem_shared>>)
        tpu.yield
      }) : () -> ()
    } else {
    }
    %barrier3A_227 = arith.constant 0 : index
    tpu.barrier barrier_id(%barrier3A_227)
    %mul3A_228 = arith.constant 4 : i32
    %mul3A_229 = arith.muli %arg1, %mul3A_228 : i32
    "tpu.region"() ({
      %run_scoped3A = tpu.sem_alloc : memref<!tpu.dma_semaphore, #tpu.memory_space<semaphore_mem>>
      %dma_start3A = arith.constant 0 : i32
      %dma_start3A_230 = tpu.memref_slice %arg11[%mul3A_229, %dma_start3A] : memref<64x128xf32, #tpu.memory_space<vmem_shared>> -> memref<4x128xf32, #tpu.memory_space<vmem_shared>>
      %dma_start3A_231 = arith.constant 0 : i32
      %dma_start3A_232 = tpu.memref_slice %arg11[%mul3A_229, %dma_start3A_231] : memref<64x128xf32, #tpu.memory_space<vmem_shared>> -> memref<4x128xf32, #tpu.memory_space<vmem_shared>>
      tpu.enqueue_dma source(%dma_start3A_232 : memref<4x128xf32, #tpu.memory_space<vmem_shared>>) target(%arg10 : memref<4x128xf32, #tpu.memory_space<vmem>>) target_semaphore(%run_scoped3A : memref<!tpu.dma_semaphore, #tpu.memory_space<semaphore_mem>>)
      %dma_wait3A = arith.constant 0 : i32
      %dma_wait3A_233 = tpu.memref_slice %arg11[%mul3A_229, %dma_wait3A] : memref<64x128xf32, #tpu.memory_space<vmem_shared>> -> memref<4x128xf32, #tpu.memory_space<vmem_shared>>
      %dma_wait3A_234 = arith.constant 0 : i32
      %dma_wait3A_235 = tpu.memref_slice %arg11[%mul3A_229, %dma_wait3A_234] : memref<64x128xf32, #tpu.memory_space<vmem_shared>> -> memref<4x128xf32, #tpu.memory_space<vmem_shared>>
      tpu.wait_dma2 semaphore(%run_scoped3A : memref<!tpu.dma_semaphore, #tpu.memory_space<semaphore_mem>>) src(%dma_wait3A_235 : memref<4x128xf32, #tpu.memory_space<vmem_shared>>) dst(%arg10 : memref<4x128xf32, #tpu.memory_space<vmem>>)
      tpu.yield
    }) : () -> ()
    "tpu.region"() ({
      %run_scoped3A = tpu.sem_alloc : memref<!tpu.dma_semaphore, #tpu.memory_space<semaphore_mem>>
      %dma_start3A = arith.constant 0 : i32
      %dma_start3A_230 = tpu.memref_slice %arg4[%arg0, %mul3A_229, %dma_start3A] : memref<2x64x128xf32, #tpu.memory_space<hbm>> -> memref<1x4x128xf32, #tpu.memory_space<hbm>>
      %dma_start3A_231 = tpu.memref_squeeze %dma_start3A_230 : memref<1x4x128xf32, #tpu.memory_space<hbm>> -> memref<4x128xf32, #tpu.memory_space<hbm>>
      %dma_start3A_232 = arith.constant 0 : i32
      %dma_start3A_233 = tpu.memref_slice %arg4[%arg0, %mul3A_229, %dma_start3A_232] : memref<2x64x128xf32, #tpu.memory_space<hbm>> -> memref<1x4x128xf32, #tpu.memory_space<hbm>>
      %dma_start3A_234 = tpu.memref_squeeze %dma_start3A_233 : memref<1x4x128xf32, #tpu.memory_space<hbm>> -> memref<4x128xf32, #tpu.memory_space<hbm>>
      tpu.enqueue_dma source(%arg10 : memref<4x128xf32, #tpu.memory_space<vmem>>) target(%dma_start3A_234 : memref<4x128xf32, #tpu.memory_space<hbm>>) target_semaphore(%run_scoped3A : memref<!tpu.dma_semaphore, #tpu.memory_space<semaphore_mem>>)
      %dma_wait3A = arith.constant 0 : i32
      %dma_wait3A_235 = tpu.memref_slice %arg4[%arg0, %mul3A_229, %dma_wait3A] : memref<2x64x128xf32, #tpu.memory_space<hbm>> -> memref<1x4x128xf32, #tpu.memory_space<hbm>>
      %dma_wait3A_236 = tpu.memref_squeeze %dma_wait3A_235 : memref<1x4x128xf32, #tpu.memory_space<hbm>> -> memref<4x128xf32, #tpu.memory_space<hbm>>
      %dma_wait3A_237 = arith.constant 0 : i32
      %dma_wait3A_238 = tpu.memref_slice %arg4[%arg0, %mul3A_229, %dma_wait3A_237] : memref<2x64x128xf32, #tpu.memory_space<hbm>> -> memref<1x4x128xf32, #tpu.memory_space<hbm>>
      %dma_wait3A_239 = tpu.memref_squeeze %dma_wait3A_238 : memref<1x4x128xf32, #tpu.memory_space<hbm>> -> memref<4x128xf32, #tpu.memory_space<hbm>>
      tpu.wait_dma2 semaphore(%run_scoped3A : memref<!tpu.dma_semaphore, #tpu.memory_space<semaphore_mem>>) src(%arg10 : memref<4x128xf32, #tpu.memory_space<vmem>>) dst(%dma_wait3A_239 : memref<4x128xf32, #tpu.memory_space<hbm>>)
      tpu.yield
    }) : () -> ()
    return
  }
}

module attributes {stable_mosaic.version = 14 : i64} {
  func.func @_combine_body(%arg0: memref<2x64x128xf32, #tpu.memory_space<vmem>>, %arg1: memref<64x128xf32, #tpu.memory_space<vmem>>) attributes {dimension_semantics = [], scalar_prefetch = 0 : i64, scratch_operands = 0 : i64, tpu.core_type = #tpu.core_type<tc>} {
    %get3A = arith.constant 0 : index
    %get3A_0 = arith.constant 0 : index
    %get3A_1 = arith.constant 0 : index
    %get3A_2 = vector.load %arg0[%get3A, %get3A_0, %get3A_1] : memref<2x64x128xf32, #tpu.memory_space<vmem>>, vector<1x64x128xf32>
    %get3A_3 = vector.shape_cast %get3A_2 : vector<1x64x128xf32> to vector<64x128xf32>
    %get3A_4 = arith.constant 1 : index
    %get3A_5 = arith.constant 0 : index
    %get3A_6 = arith.constant 0 : index
    %get3A_7 = vector.load %arg0[%get3A_4, %get3A_5, %get3A_6] : memref<2x64x128xf32, #tpu.memory_space<vmem>>, vector<1x64x128xf32>
    %get3A_8 = vector.shape_cast %get3A_7 : vector<1x64x128xf32> to vector<64x128xf32>
    %add3A = arith.addf %get3A_3, %get3A_8 : vector<64x128xf32>
    %mul3A = arith.constant 0.025298221 : f32
    %mul3A_9 = vector.broadcast %mul3A : f32 to vector<64x128xf32>
    %mul3A_10 = arith.mulf %add3A, %mul3A_9 : vector<64x128xf32>
    %swap3A = arith.constant 0 : index
    %swap3A_11 = arith.constant 0 : index
    %swap3A_12 = vector.load %arg1[%swap3A, %swap3A_11] : memref<64x128xf32, #tpu.memory_space<vmem>>, vector<64x128xf32>
    tpu.vector_store %arg1[%swap3A, %swap3A_11], %mul3A_10 {strides = array<i32>} : memref<64x128xf32, #tpu.memory_space<vmem>>, vector<64x128xf32>,
    return
  }
}

</mosaic_0001>

<sc_bundles>
// kernel: kernel.4.cloned.1.call-start
scs
__scs_entry_jumppad:
0x0: {  	(pc) =	sbr.rel $0x88, $3  }
0x1: {  	(tag) =	ssettag $0x0;
	lr =	simm.s32 $0x1  }
0x2: {  	[smem:$0x3F9F] =	sst lr;
	_ =	strace $0xD0000000  }
0x3: {  	_ = 	snop  }
0x4: {  	_ = 	snop  }
0x5: {  	_ = 	snop  }
0x6: {  	_ = 	snop  }
0x7: {  	_ = 	snop  }
__scs_overlays_trampoline_lowered:
0x8: {  	[smem:$0x3FAE] =	sst s0  }
0x9: {  	[smem:$0x3FAF] =	sst s1  }
0xa: {  	[smem:$0x3FB0] =	sst s2  }
0xb: {  	[smem:$0x3FB1] =	sst s3  }
0xc: {  	[smem:$0x3FB2] =	sst s4  }
0xd: {  	[smem:$0x3FB3] =	sst s5  }
0xe: {  	[smem:$0x3FB4] =	sst s6  }
0xf: {  	[smem:$0x3FB5] =	sst s7  }
0x10: {  	[smem:$0x3FB6] =	sst s8  }
0x11: {  	[smem:$0x3FB7] =	sst s9;
	s0 =	simm.s32 @!p0 $0x0  }
0x12: {  	s1 =	sld [smem:$0x3F9D];
	s0 =	simm.s32 @p0 $0x1  }
0x13: {  	[smem:$0x3FB8] =	sst s0;
	s0 =	simm.s32 @!p1 $0x0  }
0x14: {  	s2 =	sld [smem:$0x3F9C];
	s0 =	simm.s32 @p1 $0x1  }
0x15: {  	[smem:$0x3FB9] =	sst s0;
	s0 =	simm.s32 @!p2 $0x0  }
0x16: {  	s3 =	sld [smem:$0x3FDB];
	s0 =	simm.s32 @p2 $0x1  }
0x17: {  	s4 =	simm.s32 $0x1BF5;
	[smem:$0x3FBB] =	sst s0  }
0x18: {  	s0 =	sld [smem:$0x3F9E];
	_ =	swait.ge [sflag:s4], $0x0  }
0x19: {  	s7 =	sld [smem:$0x3F9F]  }
0x1a: {  	s8 =	sadd.s32 $0xFFFFE003, lr  }
0x1b: {  	s9 =	sadd.s32 $0xFFFFFEF7, lr;
	s5 =	simm.s32 $0xFFFFFFFF;
	p2 =	slt.u32 s8, $0xFFFFF086  }
0x1c: {  	p1 =	slt.u32 s9, $0xF7A;
	s5 =	simm.s32 @!p2 $0x0  }
0x1d: {  	s5 =	simm.s32 @p1 $0x1;
	p0 =	seq.s32 s7, s2  }
0x1e: {  	s7 =	smul.u32 @!p0 $0xF7A, s2;
	p2 =	seq.s32 @!p0 s5, $0x0  }
0x1f: {  	s9 =	smul.u32 $0xF7A, s1;
	s8 =	simm.s32 @!p0 $0x1BF5;
	p2 =	por !p2, p0  }
0x20: {  	[sflag:s8] =	ssyncset.s32 @!p0 $0xFFFFF086;
	s6 =	sadd.s32 @!p0 s3, s7;
	s7 =	simm.s32 @!p0 $0x108  }
0x21: {  	s3 =	sadd.s32 s3, s9;
	s6 =	sadd.s32 @!p0 $0x88, s6;
	s7 =	simm.s32 @p2 $0x1082  }
0x22: {  	[simem:s7], [sflag:s8] =	dma.local @!p0 [hbm:s6], $0xF7A  }
0x23: {  	s9 =	sor.u32 $0xD0000000, s2;
	s6 =	simm.s32 $0x108;
	_ =	swait.ge @!p0 [sflag:s8], $0x0  }
0x24: {  	s3 =	sadd.s32 $0x88, s3;
	s6 =	simm.s32 @!p1 $0x1082;
	[sflag:s4] =	ssyncset.s32 $0xFFFFF086  }
0x25: {  	[simem:s6], [sflag:s4] =	dma.local [hbm:s3], $0xF7A  }
0x26: {  	[smem:$0x3F9F] =	sst s1;
	(tag) =	ssettag s2;
	_ =	strace s9  }
0x27: {  	s1 =	sld [smem:$0x3FAF]  }
0x28: {  	s2 =	sld [smem:$0x3FB0]  }
0x29: {  	s4 =	sld [smem:$0x3FB2]  }
0x2a: {  	p0 =	seq.s32 s5, $0x0;
	s5 =	sld [smem:$0x3FB3]  }
0x2b: {  	s6 =	sld [smem:$0x3FB4]  }
0x2c: {  	s7 =	sld [smem:$0x3FB5]  }
0x2d: {  	s3 =	simm.s32 $0x108;
	s8 =	sld [smem:$0x3FB6]  }
0x2e: {  	s3 =	simm.s32 @!p0 $0x1082;
	s9 =	sld [smem:$0x3FB7]  }
0x2f: {  	lr =	sadd.s32 s0, s3;
	s0 =	sld [smem:$0x3FAE]  }
0x30: {  	s3 =	sld [smem:$0x3FB1]  }
0x31: {  	[smem:$0x3FBA] =	sst s10  }
0x32: {  	s10 =	sld [smem:$0x3FB8];
	_ =	sdelay $0x3  }
0x33: {  	p0 =	seq.s32 s10, $0x1;
	s10 =	sld [smem:$0x3FBA];
	_ =	sdelay $0x3  }
0x34: {  	[smem:$0x3FBA] =	sst s10  }
0x35: {  	s10 =	sld [smem:$0x3FB9];
	_ =	sdelay $0x3  }
0x36: {  	p1 =	seq.s32 s10, $0x1;
	s10 =	sld [smem:$0x3FBA];
	_ =	sdelay $0x3  }
0x37: {  	[smem:$0x3FBA] =	sst s10  }
0x38: {  	s10 =	sld [smem:$0x3FBB]  }
0x39: {  	_ = 	snop;
	(pc) =	sbr.ind lr, $3  }
0x3a: {  	_ = 	snop  }
0x3b: {  	_ = 	snop  }
0x3c: {  	p2 =	seq.s32 s10, $0x1;
	s10 =	sld [smem:$0x3FBA]  }
0x3d: {  	_ =	shalt  }
0x3e: {  	_ =	shalt  }
0x3f: {  	_ =	shalt  }
0x40: {  	_ =	shalt  }
0x41: {  	_ =	shalt  }
0x42: {  	_ =	shalt  }
0x43: {  	_ =	shalt  }
0x44: {  	_ =	shalt  }
0x45: {  	_ =	shalt  }
0x46: {  	_ =	shalt  }
0x47: {  	_ =	shalt  }
0x48: {  	_ =	shalt  }
0x49: {  	_ =	shalt  }
0x4a: {  	_ =	shalt  }
0x4b: {  	_ =	shalt  }
0x4c: {  	_ =	shalt  }
0x4d: {  	_ =	shalt  }
0x4e: {  	_ =	shalt  }
0x4f: {  	_ =	shalt  }
0x50: {  	_ =	shalt  }
0x51: {  	_ =	shalt  }
0x52: {  	_ =	shalt  }
0x53: {  	_ =	shalt  }
0x54: {  	_ =	shalt  }
0x55: {  	_ =	shalt  }
0x56: {  	_ =	shalt  }
0x57: {  	_ =	shalt  }
0x58: {  	_ =	shalt  }
0x59: {  	_ =	shalt  }
0x5a: {  	_ =	shalt  }
0x5b: {  	_ =	shalt  }
0x5c: {  	_ =	shalt  }
0x5d: {  	_ =	shalt  }
0x5e: {  	_ =	shalt  }
0x5f: {  	_ =	shalt  }
0x60: {  	_ =	shalt  }
0x61: {  	_ =	shalt  }
0x62: {  	_ =	shalt  }
0x63: {  	_ =	shalt  }
0x64: {  	_ =	shalt  }
0x65: {  	_ =	shalt  }
0x66: {  	_ =	shalt  }
0x67: {  	_ =	shalt  }
0x68: {  	_ =	shalt  }
0x69: {  	_ =	shalt  }
0x6a: {  	_ =	shalt  }
0x6b: {  	_ =	shalt  }
0x6c: {  	_ =	shalt  }
0x6d: {  	_ =	shalt  }
0x6e: {  	_ =	shalt  }
0x6f: {  	_ =	shalt  }
0x70: {  	_ =	shalt  }
0x71: {  	_ =	shalt  }
0x72: {  	_ =	shalt  }
0x73: {  	_ =	shalt  }
0x74: {  	_ =	shalt  }
0x75: {  	_ =	shalt  }
0x76: {  	_ =	shalt  }
0x77: {  	_ =	shalt  }
0x78: {  	_ =	shalt  }
0x79: {  	_ =	shalt  }
0x7a: {  	_ =	shalt  }
0x7b: {  	_ =	shalt  }
0x7c: {  	_ =	shalt  }
0x7d: {  	_ =	shalt  }
0x7e: {  	_ =	shalt  }
0x7f: {  	_ =	shalt  }
0x80: {  	_ =	shalt  }
0x81: {  	_ =	shalt  }
0x82: {  	_ =	shalt  }
0x83: {  	_ =	shalt  }
0x84: {  	_ =	shalt  }
0x85: {  	_ =	shalt  }
0x86: {  	_ =	shalt  }
0x87: {  	_ =	shalt  }
.Lfunc_end0:
.L_simem_size_0:
called_computation_lowered:
.L_overlay_start_0:
0x88: {  	s2 =	sld [smem:$0x3FD9]  }
0x89: {  	s3 =	sld [smem:$0x3FFE];
	_ =	sdelay $0x1  }
0x8a: {  	s1 =	srdreg.scid  }
0x8b: {  	s0 =	sand.u32 $0x1, s1  }
0x8c: {  	s17 =	sshll.u32 s0, $0xA;
	s2 =	sadd.s32 s3, s2  }
0x8d: {  	s2 =	sadd.s32 s2, s17  }
0x8e: {  	[smem:$0x3FC6] =	sst s2  }
0x8f: {  	_ = 	snop  }
0x90: {  	s2 =	sld [smem:$0x3FC9]  }
0x91: {  	s18 =	sld [smem:$0x3FC8];
	(tm) =	ssettm $0x1  }
0x92: {  	s4 =	sld [smem:$0x3FFB];
	_ =	sdelay $0x3  }
0x93: {  	_ =	strace s4  }
0x94: {  	s4 =	sld [smem:$0x3FFC];
	_ =	sdelay $0x3  }
0x95: {  	_ =	strace s4  }
0x96: {  	s4 =	sld [smem:$0x3FFD];
	_ =	sdelay $0x3  }
0x97: {  	_ =	strace s4  }
0x98: {  	_ =	strace $0x8FFFFFFF  }
0x99: {  	s19 =	sld [smem:$0x3FDB];
	_ =	sdelay $0x1  }
0x9a: {  	s5 =	simm.s32 $_scs_section_size  }
0x9b: {  	s6 =	simm.s32 $_size__tile_overlayer_lowered;
	s7 =	simm.s32 $_tile_overlayer_lowered  }
0x9c: {  	s22 =	simm.s32 $0x1BFF;
	s21 =	sshll.u32 s7, $0x1;
	s4 =	sadd.s32 s5, s19  }
0x9d: {  	s8 =	simm.s32 $0x0;
	s20 =	sshll.u32 s6, $0x1;
	s6 =	sadd.s32 s21, s4  }
0x9e: {  	[timem:s8], [sflag:s22] =	dma.local [hbm:s6], s20  }
0x9f: {  	_ =	swait.ge [sflag:s22], s20  }
0xa0: {  	s5 =	ssub.s32 $0x0, s20;
	[sflag:s22] =	ssyncset.done $0x0  }
0xa1: {  	[sflag:s22] =	ssyncadd.s32 s5;
	_ =	sdelay $0x1  }
0xa2: {  	s23 =	simm.s32 $0x1B8B  }
0xa3: {  	_ =	swait.ge [sflag:s23], $0x1  }
0xa4: {  	[sflag:s23] =	ssyncset.done $0x0  }
0xa5: {  	s25 =	simm.s32 $0x1B8E;
	s24 =	sld [smem:$0x3FFE];
	[sflag:s23] =	ssyncadd.s32 $0xFFFFFFFF  }
0xa6: {  	s26 =	simm.s32 $execute0_lowered;
	[smem:$0x3FD2] =	sst s25  }
0xa7: {  	s6 =	sshll.u32 s26, $0x1;
	_ =	strace $0x80000046;
	[dreg:$0x1] =	wrdreg $0xFFFFFFFF  }
0xa8: {  	s28 =	simm.s32 $_size_execute0_lowered;
	s4 =	sadd.s32 s4, s6;
	[dreg:$0x0] =	wrdreg $0x0  }
0xa9: {  	s6 =	sshll.u32 s28, $0x1;
	[dreg:$0x2] =	wrdreg s4  }
0xaa: {  	[dreg:$0x3] =	wrdreg s6  }
0xab: {  	[dreg:$0x4] =	wrdreg $0xC0  }
0xac: {  	_ =	task [dreg:s8], $0x5FFFF  }
0xad: {  	[dreg:$0x1] =	wrdreg $0xFFFFFFFF  }
0xae: {  	[dreg:$0x0] =	wrdreg $0x60  }
0xaf: {  	[dreg:$0x2] =	wrdreg s2  }
0xb0: {  	[dreg:$0x3] =	wrdreg s18  }
0xb1: {  	[dreg:$0x4] =	wrdreg s24  }
0xb2: {  	[dreg:$0x5] =	wrdreg $0x1D5A00  }
0xb3: {  	[dreg:$0x6] =	wrdreg $0x9  }
0xb4: {  	_ =	task.clear_ibuf [dreg:s8], $0x7FFFF;
	_ =	strace $0x90000046  }
0xb5: {  	s29 =	simm.s32 $0x9;
	_ =	strace $0x80000048  }
0xb6: {  	_ =	swait.ge [sflag:s29], $0x1  }
0xb7: {  	[sflag:s29] =	ssyncadd.s32 $0xFFFFFFFF  }
0xb8: {  	_ =	strace $0x90000048  }
0xb9: {  	_ =	sfence  }
0xba: {  	s30 =	sld [smem:$0x0];
	_ =	sdelay $0x2  }
0xbb: {  	s31 =	sshll.u32 s1, $0xD;
	s1 =	sshrl.u32 s1, $0x2  }
0xbc: {  	s3 =	sand.u32 $0x4000, s31;
	s1 =	sadd.s32 s1, s30  }
0xbd: {  	s0 =	sor.u32 s3, s0;
	s1 =	sshll.u32 s1, $0x11  }
0xbe: {  	s0 =	sor.u32 s1, s0  }
0xbf: {  	s0 =	sadd.s32 $0x8F2B, s0  }
0xc0: {  	[sflag:s0] =	ssyncadd.remote.s32 $0x1  }
0xc1: {  	_ =	sfence.sel $0xFFFF  }
0xc2: {  	[dreg:$0x0] =	wrdreg $0xFFFFFFFF;
	(pc) =	sbr.abs _section_cstart, $3  }
0xc3: {  	[dreg:$0x1] =	wrdreg $0xFFFFFFFF  }
0xc4: {  	_ =	task.clear_ibuf [dreg:s8], $0x2FFFF;
	_ =	strace $0x9FFFFFFF  }
0xc5: {  	(tm) =	ssettm $0x7FFFFFFF  }
tec
execute0_lowered:
.L_overlay_start_1:
0x0: {  	(tag) =	ssettag $0x1  }
0x1: {  	s0 =	rddreg [dreg:$0x0]  }
0x2: {  	s2 =	rddreg [dreg:$0x1]  }
0x3: {  	s3 =	rddreg [dreg:$0x2]  }
0x4: {  	s1 =	rddreg [dreg:$0x3];
	s22 =	simm.s32 $0x0;
	s4 =	srdreg.scid  }
0x5: {  	s20 =	stileid.u32;
	s21 =	simm.s32 $0x0;
	[smem:$0x7FF] =	sst s22  }
0x6: {  	s13 =	sand.u32 $0x1, s4;
	s14 =	sshll.u32 s20, $0x9;
	s11 =	smul.u32 $0x340, s20  }
0x7: {  	s5 =	sshll.u32 s20, $0x1;
	s25 =	sadd.s32 $0x186000, s0;
	s17 =	smul.u32 $0x1A000, s20  }
0x8: {  	s26 =	sadd.s32 $0x30C0, s2;
	s10 =	sadd.s32 $0x10, s2;
	s29 =	smul.u32 $0x1A, s20  }
0x9: {  	p1 =	seq.s32 s20, $0xF;
	s20 =	simm.s32 $0x9;
	s16 =	smul.u32 $0x1A0, s13  }
0xa: {  	s4 =	sshll.u32 s13, $0xD;
	_ =	strace $0x80000047;
	s30 =	smul.u32 $0xD, s13  }
0xb: {  	s19 =	sor.u32 s13, s5;
	[dreg:$0x5] =	wrdreg s25;
	s31 =	smul.u32 $0xD000, s13  }
0xc: {  	s23 =	ssub.s32 $0x2, s13;
	[dreg:$0x6] =	wrdreg s26;
	s6 =	smul.u32 $0xD000, s19  }
0xd: {  	s13 =	sadd.s32 s14, s1;
	s4 =	sor.u32 s14, s4;
	s8 =	smul.u32 $0x1A0, s19  }
0xe: {  	s24 =	sshrl.u32 s23, $0x1;
	s9 =	smul.u32 $0xD, s19;
	s11 =	sadd.s32 s11, s2  }
0xf: {  	p0 =	sne.s32 s19, $0x1E;
	s19 =	simm.s32 $0x1D3A0;
	s4 =	sshrl.u32 s4, $0x3  }
0x10: {  	s15 =	ssub.s32 s23, s24;
	s18 =	sadd.s32 s16, s11;
	s16 =	sadd.s32 s30, s29  }
0x11: {  	s3 =	sadd.s32 s4, s3;
	s28 =	sadd.s32 s0, s6;
	s7 =	sadd.s32 s2, s8  }
0x12: {  	s9 =	sadd.s32 $0x1, s9;
	s8 =	sadd.s32 s8, s10;
	s15 =	smax.u32 s15, $0x1  }
0x13: {  	[dreg:$0x7] =	wrdreg s28;
	s12 =	sshll.u32 s9, $0x5;
	s9 =	sshll.u32 s9, $0xC  }
0x14: {  	s14 =	sadd.s32 $0x600, s3;
	s9 =	sadd.s32 s0, s9;
	s0 =	sadd.s32 s17, s0  }
0x15: {  	s10 =	sadd.s32 s12, s10;
	s11 =	sadd.s32 s2, s12;
	s0 =	sadd.s32 s31, s0  }
0x16: {  	v0 =	vimm.f32 $0.0e+00;
	s12 =	sadd.s32 $0x30D0, s2;
	s17 =	sadd.s32 $0x50, s18;
	s18 =	sadd.s32 $0x2000, s0  }
.LBB2_1:
0x17: {  	s0 =	simm.s32 @!p0 $0x0;
	s2 =	simm.s32 @!p0 $0x18300;
	s3 =	rddreg [dreg:$0x5]  }
0x18: {  	[tilespmem:s2], [sflag:$0x7] =	stream.linear.gather @!p0 [hbm4b:s3+s0], $0x5000, $0x38;
	[tilespmem:$0x1D7A0] =	vst v63  }
0x19: {  	s2 =	simm.s32 @!p0 $0x1D300;
	s3 =	rddreg [dreg:$0x6]  }
0x1a: {  	[tilespmem:s2], [sflag:$0x8] =	stream.linear.gather @!p0 [hbm4b:s3+s0], $0x80, $0x38;
	[tilespmem:$0x1D7A0] =	vst v63  }
0x1b: {  	s2 =	simm.s32 @!p0 $0x1D380  }
0x1c: {  	[tilespmem:s2], [sflag:$0x8] =	stream.linear.gather @!p0 [hbm4b:s12+s0], $0x20, $0x38;
	[tilespmem:$0x1D7A0] =	vst v63  }
0x1d: {  	s0 =	simm.s32 @!p1 $0x0;
	s2 =	rddreg [dreg:$0x7]  }
0x1e: {  	[tilespmem:s0], [sflag:$0x1] =	stream.linear.gather @!p1 [hbm4b:s2+s0], $0x8000, $0x38;
	[tilespmem:$0x1D7A0] =	vst v63  }
0x1f: {  	s2 =	simm.s32 @!p1 $0x18000  }
0x20: {  	[tilespmem:s2], [sflag:$0x4] =	stream.linear.gather @!p1 [hbm4b:s7+s0], $0x80, $0x38;
	[tilespmem:$0x1D7A0] =	vst v63  }
0x21: {  	s2 =	simm.s32 @!p1 $0x18080  }
0x22: {  	[tilespmem:s2], [sflag:$0x4] =	stream.linear.gather @!p1 [hbm4b:s8+s0], $0x80, $0x38;
	[tilespmem:$0x1D7A0] =	vst v63  }
0x23: {  	s2 =	simm.s32 @!p1 $0x8000  }
0x24: {  	[tilespmem:s2], [sflag:$0x2] =	stream.linear.gather @!p1 [hbm4b:s9+s0], $0x8000, $0x38;
	[tilespmem:$0x1D7A0] =	vst v63  }
0x25: {  	s2 =	simm.s32 @!p1 $0x18100  }
0x26: {  	[tilespmem:s2], [sflag:$0x5] =	stream.linear.gather @!p1 [hbm4b:s11+s0], $0x80, $0x38;
	[tilespmem:$0x1D7A0] =	vst v63  }
0x27: {  	s2 =	simm.s32 @!p1 $0x18180  }
0x28: {  	[tilespmem:s2], [sflag:$0x5] =	stream.linear.gather @!p1 [hbm4b:s10+s0], $0x80, $0x38;
	[tilespmem:$0x1D7A0] =	vst v63  }
0x29: {  	[tilespmem:$0x1D3A0] =	vst v0  }
0x2a: {  	[tilespmem:$0x1D3B0] =	vst v0  }
0x2b: {  	[tilespmem:$0x1D3C0] =	vst v0  }
0x2c: {  	[tilespmem:$0x1D3D0] =	vst v0  }
0x2d: {  	[tilespmem:$0x1D3E0] =	vst v0  }
0x2e: {  	[tilespmem:$0x1D3F0] =	vst v0  }
0x2f: {  	[tilespmem:$0x1D400] =	vst v0  }
0x30: {  	[tilespmem:$0x1D410] =	vst v0  }
0x31: {  	[tilespmem:$0x1D420] =	vst v0  }
0x32: {  	[tilespmem:$0x1D430] =	vst v0  }
0x33: {  	[tilespmem:$0x1D440] =	vst v0  }
0x34: {  	[tilespmem:$0x1D450] =	vst v0  }
0x35: {  	[tilespmem:$0x1D460] =	vst v0  }
0x36: {  	[tilespmem:$0x1D470] =	vst v0  }
0x37: {  	[tilespmem:$0x1D480] =	vst v0  }
0x38: {  	[tilespmem:$0x1D490] =	vst v0  }
0x39: {  	[tilespmem:$0x1D4A0] =	vst v0  }
0x3a: {  	[tilespmem:$0x1D4B0] =	vst v0  }
0x3b: {  	[tilespmem:$0x1D4C0] =	vst v0  }
0x3c: {  	[tilespmem:$0x1D4D0] =	vst v0  }
0x3d: {  	[tilespmem:$0x1D4E0] =	vst v0  }
0x3e: {  	[tilespmem:$0x1D4F0] =	vst v0  }
0x3f: {  	[tilespmem:$0x1D500] =	vst v0  }
0x40: {  	[tilespmem:$0x1D510] =	vst v0  }
0x41: {  	[tilespmem:$0x1D520] =	vst v0  }
0x42: {  	[tilespmem:$0x1D530] =	vst v0  }
0x43: {  	[tilespmem:$0x1D540] =	vst v0  }
0x44: {  	[tilespmem:$0x1D550] =	vst v0  }
0x45: {  	p2 =	por $0x0, $0x0;
	s0 =	sadd.s32 $0x2, s16;
	[tilespmem:$0x1D560] =	vst v0  }
0x46: {  	[tilespmem:$0x1D570] =	vst v0;
	p3 =	sgt.u32 @!p2 s0, $0x185  }
0x47: {  	s6 =	smul.u32 $0xAB, s22;
	[tilespmem:$0x1D580] =	vst v0;
	s0 =	simm.s32 $0x2;
	p3 =	por p3, p2  }
0x48: {  	[tilespmem:$0x1D590] =	vst v0;
	s0 =	smul.u32 @!p3 $0xAB, s0  }
0x49: {  	[spmem:s13] =	stream.linear.scatter [tilespmem:s19], [sflag:$0x9], $0x200, $0x38;
	[tilespmem:$0x1D7A0] =	vst v63  }
0x4a: {  	s0 =	sshrl.u32 @!p3 s0, $0x9  }
0x4b: {  	s2 =	sshrl.u32 s6, $0x9;
	s0 =	sand.u32 @!p3 $0x7F, s0  }
0x4c: {  	s2 =	sand.u32 $0x7F, s2;
	s0 =	smul.u32 @!p3 $0x3, s0  }
0x4d: {  	s2 =	smul.u32 $0x3, s2;
	_ =	swait.ge [sflag:s20], $0x200;
	s25 =	sadd.s32 @!p3 $0xFFFFFFF0, s17  }
0x4e: {  	s26 =	simm.s32 @!p3 $0x0;
	[sflag:s20] =	ssyncset.done $0x0;
	s0 =	ssub.s32 @!p3 $0x2, s0  }
0x4f: {  	s2 =	ssub.s32 $0x0, s2;
	[sflag:s20] =	ssyncadd.s32 $0xFFFFFE00;
	s0 =	sand.u32 @!p3 $0xFF, s0  }
0x50: {  	[bflag:$0x0] =	sbarrier.arrive $0xFFFF;
	s3 =	sshll.u32 @!p3 s0, $0xF;
	s23 =	sadd.s32 @!p3 $0x1, s0  }
0x51: {  	[tilespmem:s3], [sflag:s23] =	stream.linear.gather @!p3 [hbm4b:s18+s26], $0x8000, $0x38;
	[tilespmem:$0x1D7A0] =	vst v63  }
0x52: {  	s4 =	sand.u32 $0xFF, s2;
	s22 =	sshll.u32 @!p3 s0, $0x8;
	s23 =	sadd.s32 $0x0, s16  }
0x53: {  	s0 =	sor.u32 @!p3 $0x4, s0;
	s24 =	sor.u32 @!p3 $0x18000, s22;
	p2 =	sgt.u32 s23, $0x185  }
0x54: {  	[tilespmem:s24], [sflag:s0] =	stream.linear.gather @!p3 [hbm4b:s25+s26], $0x80, $0x38;
	[tilespmem:$0x1D7A0] =	vst v63  }
0x55: {  	s2 =	sor.u32 @!p3 $0x18080, s22;
	s3 =	sadd.s32 @!p2 $0x1, s4  }
0x56: {  	[tilespmem:s2], [sflag:s0] =	stream.linear.gather @!p3 [hbm4b:s17+s26], $0x80, $0x38;
	[tilespmem:$0x1D7A0] =	vst v63  }
0x57: {  	s30 =	simm.s32 $0x3;
	s22 =	sadd.s32 $0x3, s16;
	_ =	swait.ge @!p2 [sflag:s3], $0x8000  }
0x58: {  	s23 =	simm.s32 $0x1;
	s25 =	simm.s32 $0x2;
	[sflag:s3] =	ssyncset.done @!p2 $0x0  }
0x59: {  	s2 =	sadd.s32 @!p2 $0x4, s4;
	p3 =	por $0x0, $0x0;
	[sflag:s3] =	ssyncadd.s32 @!p2 $0xFFFF8000  }
0x5a: {  	s24 =	sadd.s32 $0x1000, s18;
	p4 =	sgt.u32 @!p3 s22, $0x185;
	_ =	swait.ge @!p2 [sflag:s2], $0x80  }
0x5b: {  	s29 =	simm.s32 @!p2 $0x80;
	p3 =	por p4, p3;
	[sflag:s2] =	ssyncset.done @!p2 $0x0  }
0x5c: {  	s28 =	simm.s32 @!p2 $0x9;
	s3 =	smul.u32 @!p3 $0xAB, s30;
	[sflag:s2] =	ssyncadd.s32 @!p2 $0xFFFFFF80  }
0x5d: {  	s0 =	sshll.u32 @!p2 s4, $0x8;
	s26 =	simm.s32 @!p2 $0xA;
	_ =	swait.ge @!p2 [sflag:s2], $0x80  }
0x5e: {  	s22 =	sadd.s32 $0x20, s17;
	s3 =	sshrl.u32 @!p3 s3, $0x9;
	[sflag:s2] =	ssyncset.done @!p2 $0x0  }
0x5f: {  	s31 =	sadd.s32 @!p2 $0x18080, s0;
	s3 =	sand.u32 @!p3 $0x7F, s3;
	[sflag:s2] =	ssyncadd.s32 @!p2 $0xFFFFFF80  }
0x60: {  	s2 =	smul.u32 @!p3 $0x3, s3;
	s3 =	sadd.s32 @!p2 $0x18000, s0;
	s0 =	sshll.u32 @!p2 s4, $0xF  }
.LBB2_2:
0x61: {  	[spmem:s1] =	stream.indirect.scatter.add.f32 @!p2 [tilespmem:s0], [sflag:$0xA], $0x80, s3, s29, $0xb8;
	[tilespmem:$0x1D7A0] =	vst v63  }
0x62: {  	s3 =	smov.u32 s25  }
0x63: {  	s0 =	sor.u32 @!p2 $0x4000, s0;
	s2 =	ssub.s32 @!p3 s30, s2;
	_ =	swait.ge @!p2 [sflag:s26], $0x4000  }
0x64: {  	s4 =	smul.u32 $0xAB, s23;
	s2 =	sand.u32 @!p3 $0xFF, s2;
	[sflag:s26] =	ssyncset.done @!p2 $0x0  }
0x65: {  	s30 =	sshll.u32 @!p3 s2, $0xF;
	s5 =	sshll.u32 @!p3 s2, $0x8;
	[sflag:s26] =	ssyncadd.s32 @!p2 $0xFFFFC000  }
0x66: {  	s4 =	sshrl.u32 s4, $0x9;
	s26 =	sadd.s32 @!p3 $0x1, s2;
	s6 =	sor.u32 @!p3 $0x18000, s5  }
0x67: {  	[spmem:s1] =	stream.indirect.scatter.add.f32 @!p2 [tilespmem:s0], [sflag:$0x9], $0x80, s31, s29, $0xb8;
	[tilespmem:$0x1D7A0] =	vst v63  }
0x68: {  	s25 =	sadd.s32 $0x1, s25;
	s0 =	sand.u32 $0x7F, s4  }
0x69: {  	s4 =	sor.u32 @!p3 $0x18080, s5;
	_ =	swait.ge @!p2 [sflag:s28], $0x4000;
	s0 =	smul.u32 $0x3, s0  }
0x6a: {  	s5 =	sadd.s32 @!p3 $0xFFFFFFF0, s22;
	s29 =	simm.s32 @!p3 $0x0;
	[sflag:s28] =	ssyncset.done @!p2 $0x0  }
0x6b: {  	[sflag:s28] =	ssyncadd.s32 @!p2 $0xFFFFC000;
	s0 =	ssub.s32 s23, s0;
	s23 =	sadd.s32 s23, s16  }
0x6c: {  	[tilespmem:s30], [sflag:s26] =	stream.linear.gather @!p3 [hbm4b:s24+s29], $0x8000, $0x38;
	[tilespmem:$0x1D7A0] =	vst v63  }
0x6d: {  	p4 =	sne.s32 s25, $0xD;
	s2 =	sor.u32 @!p3 $0x4, s2;
	p2 =	sgt.u32 s23, $0x185  }
0x6e: {  	[tilespmem:s6], [sflag:s2] =	stream.linear.gather @!p3 [hbm4b:s5+s29], $0x80, $0x38;
	[tilespmem:$0x1D7A0] =	vst v63  }
0x6f: {  	s0 =	sand.u32 $0xFF, s0;
	s23 =	smov.u32 s3;
	s26 =	simm.s32 @!p2 $0xA  }
0x70: {  	s30 =	sadd.s32 $0x2, s23;
	s5 =	sadd.s32 @!p2 $0x1, s0;
	s6 =	sshll.u32 @!p2 s0, $0x8  }
0x71: {  	[tilespmem:s4], [sflag:s2] =	stream.linear.gather @!p3 [hbm4b:s22+s29], $0x80, $0x38;
	[tilespmem:$0x1D7A0] =	vst v63  }
0x72: {  	s3 =	sadd.s32 s16, s30;
	_ =	swait.ge @!p2 [sflag:s5], $0x8000  }
0x73: {  	s2 =	sadd.s32 @!p2 $0x4, s0;
	p3 =	sgt.u32 s23, $0xA;
	[sflag:s5] =	ssyncset.done @!p2 $0x0  }
0x74: {  	p5 =	sgt.u32 @!p3 s3, $0x185;
	[sflag:s5] =	ssyncadd.s32 @!p2 $0xFFFF8000  }
0x75: {  	p3 =	por p5, p3;
	_ =	swait.ge @!p2 [sflag:s2], $0x80  }
0x76: {  	s3 =	smul.u32 @!p3 $0xAB, s30;
	[sflag:s2] =	ssyncset.done @!p2 $0x0  }
.Ltmp0:
0x77: {  	s24 =	sadd.s32 $0x1000, s24;
	[sflag:s2] =	ssyncadd.s32 @!p2 $0xFFFFFF80;
	(pc) =	sbr.rel @p4 .LBB2_2-.Ltmp0, $4  }
0x78: {  	s29 =	simm.s32 @!p2 $0x80;
	s22 =	sadd.s32 $0x20, s22;
	_ =	swait.ge @!p2 [sflag:s2], $0x80  }
0x79: {  	s28 =	simm.s32 @!p2 $0x9;
	s3 =	sshrl.u32 @!p3 s3, $0x9;
	[sflag:s2] =	ssyncset.done @!p2 $0x0  }
0x7a: {  	s31 =	sadd.s32 @!p2 $0x18080, s6;
	s3 =	sand.u32 @!p3 $0x7F, s3;
	[sflag:s2] =	ssyncadd.s32 @!p2 $0xFFFFFF80  }
0x7b: {  	s0 =	sshll.u32 @!p2 s0, $0xF;
	s2 =	smul.u32 @!p3 $0x3, s3;
	s3 =	sadd.s32 @!p2 $0x18000, s6  }
0x7c: {  	[spmem:s1] =	stream.indirect.scatter.add.f32 @!p2 [tilespmem:s0], [sflag:$0xA], $0x80, s3, s29, $0xb8;
	[tilespmem:$0x1D7A0] =	vst v63  }
0x7d: {  	s25 =	smul.u32 $0xAB, s23;
	s2 =	ssub.s32 @!p3 s30, s2;
	_ =	swait.ge @!p2 [sflag:s26], $0x4000  }
0x7e: {  	s0 =	sor.u32 @!p2 $0x4000, s0;
	s2 =	sand.u32 @!p3 $0xFF, s2;
	[sflag:s26] =	ssyncset.done @!p2 $0x0  }
0x7f: {  	s3 =	sshrl.u32 s25, $0x9;
	s25 =	sadd.s32 @!p3 $0xFFFFFFF0, s22;
	s4 =	sshll.u32 @!p3 s2, $0xF  }
0x80: {  	s5 =	sshll.u32 @!p3 s2, $0x8;
	[sflag:s26] =	ssyncadd.s32 @!p2 $0xFFFFC000;
	s3 =	sand.u32 $0x7F, s3  }
0x81: {  	[spmem:s1] =	stream.indirect.scatter.add.f32 @!p2 [tilespmem:s0], [sflag:$0x9], $0x80, s31, s29, $0xb8;
	[tilespmem:$0x1D7A0] =	vst v63  }
0x82: {  	s26 =	simm.s32 @!p3 $0x0;
	s3 =	smul.u32 $0x3, s3;
	_ =	swait.ge @!p2 [sflag:s28], $0x4000  }
0x83: {  	s0 =	sadd.s32 @!p3 $0x1, s2;
	s6 =	sor.u32 @!p3 $0x18000, s5;
	[sflag:s28] =	ssyncset.done @!p2 $0x0  }
0x84: {  	s31 =	sadd.s32 s23, s16;
	s30 =	ssub.s32 s23, s3;
	[sflag:s28] =	ssyncadd.s32 @!p2 $0xFFFFC000  }
0x85: {  	[tilespmem:s4], [sflag:s0] =	stream.linear.gather @!p3 [hbm4b:s24+s26], $0x8000, $0x38;
	[tilespmem:$0x1D7A0] =	vst v63  }
0x86: {  	s2 =	sor.u32 @!p3 $0x4, s2;
	p2 =	sgt.u32 s31, $0x185;
	s0 =	sand.u32 $0xFF, s30  }
0x87: {  	[tilespmem:s6], [sflag:s2] =	stream.linear.gather @!p3 [hbm4b:s25+s26], $0x80, $0x38;
	[tilespmem:$0x1D7A0] =	vst v63  }
0x88: {  	s3 =	sor.u32 @!p3 $0x18080, s5;
	s4 =	sadd.s32 @!p2 $0x1, s0  }
0x89: {  	[tilespmem:s3], [sflag:s2] =	stream.linear.gather @!p3 [hbm4b:s22+s26], $0x80, $0x38;
	[tilespmem:$0x1D7A0] =	vst v63  }
0x8a: {  	_ =	swait.ge @!p2 [sflag:s4], $0x8000  }
0x8b: {  	[sflag:s4] =	ssyncset.done @!p2 $0x0  }
0x8c: {  	s2 =	sadd.s32 @!p2 $0x4, s0;
	[sflag:s4] =	ssyncadd.s32 @!p2 $0xFFFF8000  }
0x8d: {  	_ =	swait.ge @!p2 [sflag:s2], $0x80  }
0x8e: {  	[sflag:s2] =	ssyncset.done @!p2 $0x0  }
0x8f: {  	[sflag:s2] =	ssyncadd.s32 @!p2 $0xFFFFFF80  }
0x90: {  	s5 =	simm.s32 @!p2 $0x80;
	_ =	swait.ge @!p2 [sflag:s2], $0x80  }
0x91: {  	s3 =	sshll.u32 @!p2 s0, $0x8;
	s0 =	sshll.u32 @!p2 s0, $0xF;
	[sflag:s2] =	ssyncset.done @!p2 $0x0  }
0x92: {  	s4 =	simm.s32 @!p2 $0xA;
	[sflag:s2] =	ssyncadd.s32 @!p2 $0xFFFFFF80;
	s2 =	sadd.s32 @!p2 $0x18000, s3  }
0x93: {  	[spmem:s1] =	stream.indirect.scatter.add.f32 @!p2 [tilespmem:s0], [sflag:$0xA], $0x80, s2, s5, $0xb8;
	[tilespmem:$0x1D7A0] =	vst v63  }
0x94: {  	_ =	swait.ge @!p2 [sflag:s4], $0x4000  }
0x95: {  	s3 =	sadd.s32 @!p2 $0x18080, s3;
	[sflag:s4] =	ssyncset.done @!p2 $0x0  }
0x96: {  	s2 =	simm.s32 @!p2 $0x9;
	s0 =	sor.u32 @!p2 $0x4000, s0;
	[sflag:s4] =	ssyncadd.s32 @!p2 $0xFFFFC000  }
0x97: {  	[spmem:s1] =	stream.indirect.scatter.add.f32 @!p2 [tilespmem:s0], [sflag:$0x9], $0x80, s3, s5, $0xb8;
	[tilespmem:$0x1D7A0] =	vst v63  }
0x98: {  	_ =	swait.ge @!p2 [sflag:s2], $0x4000  }
0x99: {  	[sflag:s2] =	ssyncset.done @!p2 $0x0  }
0x9a: {  	s0 =	simm.s32 @!p0 $0x7;
	[sflag:s2] =	ssyncadd.s32 @!p2 $0xFFFFC000  }
0x9b: {  	_ =	swait.ge @!p0 [sflag:s0], $0x5000  }
0x9c: {  	[sflag:s0] =	ssyncset.done @!p0 $0x0  }
0x9d: {  	[sflag:s0] =	ssyncadd.s32 @!p0 $0xFFFFB000;
	s0 =	simm.s32 @!p0 $0x8  }
0x9e: {  	_ =	swait.ge @!p0 [sflag:s0], $0x80  }
0x9f: {  	[sflag:s0] =	ssyncset.done @!p0 $0x0  }
0xa0: {  	[sflag:s0] =	ssyncadd.s32 @!p0 $0xFFFFFF80  }
0xa1: {  	_ =	swait.ge @!p0 [sflag:s0], $0x20  }
0xa2: {  	s3 =	simm.s32 @!p0 $0x18300;
	[sflag:s0] =	ssyncset.done @!p0 $0x0  }
0xa3: {  	s2 =	simm.s32 @!p0 $0x1D300;
	[sflag:s0] =	ssyncadd.s32 @!p0 $0xFFFFFFE0;
	s0 =	simm.s32 @!p0 $0x80  }
0xa4: {  	[spmem:s1] =	stream.indirect.scatter.add.f32 @!p0 [tilespmem:s3], [sflag:$0x9], $0x80, s2, s0, $0xb8;
	[tilespmem:$0x1D7A0] =	vst v63  }
0xa5: {  	s0 =	simm.s32 @!p0 $0x9  }
0xa6: {  	_ =	swait.ge @!p0 [sflag:s0], $0x4000  }
0xa7: {  	s4 =	simm.s32 @!p0 $0x1C300;
	[sflag:s0] =	ssyncset.done @!p0 $0x0  }
0xa8: {  	s2 =	simm.s32 @!p0 $0x20;
	s3 =	simm.s32 @!p0 $0x1D380;
	[sflag:s0] =	ssyncadd.s32 @!p0 $0xFFFFC000  }
0xa9: {  	[spmem:s1] =	stream.indirect.scatter.add.f32 @!p0 [tilespmem:s4], [sflag:$0x9], $0x80, s3, s2, $0xb8;
	[tilespmem:$0x1D7A0] =	vst v63  }
0xaa: {  	_ =	swait.ge @!p0 [sflag:s0], $0x1000  }
0xab: {  	[sflag:s0] =	ssyncset.done @!p0 $0x0  }
0xac: {  	[sflag:s0] =	ssyncadd.s32 @!p0 $0xFFFFF000  }
0xad: {  	[bflag:$0x0] =	sbarrier.arrive $0xFFFF  }
0xae: {  	[tilespmem:s19], [sflag:$0x9] =	stream.linear.gather [spmem:s13], $0x200, $0x38;
	[tilespmem:$0x1D7A0] =	vst v63  }
0xaf: {  	s21 =	sadd.s32 $0x1, s21;
	_ =	swait.ge [sflag:s20], $0x200  }
0xb0: {  	p2 =	sne.s32 s21, s15;
	[sflag:s20] =	ssyncset.done $0x0  }
.Ltmp1:
0xb1: {  	s22 =	simm.s32 $0x0;
	[sflag:s20] =	ssyncadd.s32 $0xFFFFFE00;
	(pc) =	sbr.rel @p2 .LBB2_1-.Ltmp1, $4  }
0xb2: {  	[hbm4b:s14+s22] =	stream.linear.scatter [tilespmem:s19], [sflag:$0x9], $0x200, $0x38;
	[tilespmem:$0x1D7A0] =	vst v63  }
0xb3: {  	_ =	swait.ge [sflag:s20], $0x200  }
0xb4: {  	[sflag:s20] =	ssyncset.done $0x0  }
0xb5: {  	[sflag:s20] =	ssyncadd.s32 $0xFFFFFE00  }
0xb6: {  	_ =	sfence.sel $0x180000  }
0xb7: {  	[bflag:$0x0] =	sbarrier.arrive $0xFFFF  }
0xb8: {  	_ =	strace $0x90000047  }
0xb9: {  	s0 =	stileid.u32;
	[bflag:$0x2] =	sbarrier.arrive $0xFFFF  }
0xba: {  	p0 =	sne.s32 s0, $0x0;
	s0 =	rddreg [dreg:$0x4]  }
0xbb: {  	s0 =	sadd.s32 @!p0 $0x100000, s0  }
0xbc: {  	[sflag:s0] =	ssyncadd.tile.s32 @!p0 $0x1;
	_ =	shalt  }
.Lfunc_end2:
_tile_overlayer_lowered:
.L_overlay_start_2:
0xbd: {  	(tag) =	ssettag $0x2  }
0xbe: {  	s0 =	rddreg [dreg:$0x0];
	s2 =	stileid.u32  }
0xbf: {  	s1 =	rddreg [dreg:$0x1];
	p0 =	sne.s32 s2, $0x0  }
0xc0: {  	s3 =	rddreg [dreg:$0x2];
	[bflag:$0x3] =	sbarrier.arrive $0xFFFF;
	s2 =	simm.s32 @!p0 $0x1C09  }
0xc1: {  	[timem:s3], [sflag:s2] =	dma.local @!p0 [hbm:s0], s1  }
0xc2: {  	s0 =	simm.s32 @!p0 $0x9  }
0xc3: {  	_ =	swait.ge @!p0 [sflag:s0], s1  }
0xc4: {  	s1 =	ssub.s32 @!p0 $0x0, s1;
	[sflag:s0] =	ssyncset.done @!p0 $0x0  }
0xc5: {  	[sflag:s0] =	ssyncadd.s32 @!p0 s1  }
0xc6: {  	[bflag:$0x3] =	sbarrier.arrive $0xFFFF  }
0xc7: {  	_ =	shalt  }

</sc_bundles>
